<compile_context>
chip_gen: v7x
topology: tpu7x:2x2x1
jax: 0.10.2.dev20260603
libtpu: 0.0.44.dev20260713+nightly
codegen_flags: <defaults>
</compile_context>

<pallas_src>
import functools

import jax
import jax.numpy as jnp
from jax import lax
from jax.experimental import pallas as pl
from jax.experimental.pallas import tpu as pltpu
from jax.experimental.pallas import tpu_sc as plsc

N = 10000
E = 320000
D = 128
NPRIM = 4

NC = 2
NS = 16
NW = NC * NS
E_PER_TILE = E // NW
CHUNK = 80
N_CHUNKS = E_PER_TILE // CHUNK
N_PAD = 10240
ROWS_PER_TILE = N_PAD // NS

BR = 5000


def _mm_body(a_ref, W_ref, x_ref, h_ref):
    a = a_ref[...]
    e = jnp.exp(a - jnp.max(a))
    w = e / jnp.sum(e)
    W_eff = (W_ref[0] * w[0:1, 0:1] + W_ref[1] * w[0:1, 1:2]
             + W_ref[2] * w[0:1, 2:3] + W_ref[3] * w[0:1, 3:4])
    h_ref[...] = jnp.dot(x_ref[...], W_eff,
                         preferred_element_type=jnp.float32)


_mm_call = pl.pallas_call(
    _mm_body,
    grid=(N // BR,),
    in_specs=[
        pl.BlockSpec((1, NPRIM), lambda i: (0, 0)),
        pl.BlockSpec((NPRIM, D, D), lambda i: (0, 0, 0)),
        pl.BlockSpec((BR, D), lambda i: (i, 0)),
    ],
    out_specs=pl.BlockSpec((BR, D), lambda i: (i, 0)),
    out_shape=jax.ShapeDtypeStruct((N, D), jnp.float32),
)


SEC = 25
N_SEC = N_CHUNKS // SEC


def _sc_body(h_hbm, ei_hbm, out_hbm,
             src_v, dst_v, rows_v, acc_sh, semG0, semG1, semG2,
             semS0, semS1, semS2, semI):
    cid = lax.axis_index("c")
    sid = lax.axis_index("s")
    wid = cid * NS + sid
    r0 = sid * ROWS_PER_TILE
    semG = (semG0, semG1, semG2)
    semS = (semS0, semS1, semS2)

    zv = jnp.zeros((16,), jnp.float32)

    def zi(j, carry):
        for cc in range(8):
            rows_v[0, j, pl.ds(cc * 16, 16)] = zv
        return carry

    lax.fori_loop(0, CHUNK, zi, 0)
    for j in range(ROWS_PER_TILE // CHUNK):
        pltpu.sync_copy(rows_v.at[0], acc_sh.at[pl.ds(r0 + j * CHUNK, CHUNK)])
    plsc.subcore_barrier()

    base = wid * E_PER_TILE
    pltpu.sync_copy(ei_hbm.at[pl.ds(base, SEC * CHUNK)], src_v.at[pl.ds(0, SEC * CHUNK)])
    pltpu.sync_copy(ei_hbm.at[pl.ds(E + base, SEC * CHUNK)], dst_v.at[pl.ds(0, SEC * CHUNK)])
    H = CHUNK // 2

    def _gather(off, r, sem):
        pltpu.async_copy(h_hbm.at[src_v.at[pl.ds(off, H)]],
                         rows_v.at[r, pl.ds(0, H)], sem)
        pltpu.async_copy(h_hbm.at[src_v.at[pl.ds(off + H, H)]],
                         rows_v.at[r, pl.ds(H, H)], sem)

    def _scatter(off, r, sem):
        pltpu.async_copy(rows_v.at[r, pl.ds(0, H)],
                         acc_sh.at[dst_v.at[pl.ds(off, H)]], sem, add=True)
        pltpu.async_copy(rows_v.at[r, pl.ds(H, H)],
                         acc_sh.at[dst_v.at[pl.ds(off + H, H)]], sem, add=True)

    _gather(0, 0, semG0)
    _gather(CHUNK, 1, semG1)
    pltpu.make_async_copy(h_hbm.at[pl.ds(0, CHUNK)], rows_v.at[0], semG0).wait()
    _scatter(0, 0, semS0)
    _gather(2 * CHUNK, 2, semG2)
    pltpu.make_async_copy(h_hbm.at[pl.ds(0, CHUNK)], rows_v.at[1], semG1).wait()
    _scatter(CHUNK, 1, semS1)

    def body(c, carry):
        s = c // SEC
        cm = lax.rem(c, SEC)
        b = lax.rem(s, 2)
        g = lax.min(c + 1, N_CHUNKS - 1)
        s1 = g // SEC
        b1 = lax.rem(s1, 2)
        row1 = lax.rem(g, SEC)

        for k in range(3):
            @pl.when(lax.rem(c, 3) == k)
            def _(k=k):
                r, r1 = k, (k + 1) % 3

                @pl.when(cm == SEC - 1)
                def _():
                    pltpu.make_async_copy(ei_hbm.at[pl.ds(0, SEC * CHUNK)],
                                          src_v.at[pl.ds(0, SEC * CHUNK)],
                                          semI).wait()
                    pltpu.make_async_copy(ei_hbm.at[pl.ds(E, SEC * CHUNK)],
                                          dst_v.at[pl.ds(0, SEC * CHUNK)],
                                          semI).wait()

                pltpu.make_async_copy(h_hbm.at[pl.ds(0, CHUNK)],
                                      rows_v.at[r1], semS[r1]).wait()
                _gather(b1 * SEC * CHUNK + row1 * CHUNK, r1, semG[r1])
                pltpu.make_async_copy(h_hbm.at[pl.ds(0, CHUNK)],
                                      rows_v.at[r], semG[r]).wait()
                _scatter(b * SEC * CHUNK + cm * CHUNK, r, semS[r])

                @pl.when(cm == 2)
                def _():
                    ns = lax.min(s + 1, N_SEC - 1)
                    nb = lax.rem(s + 1, 2)
                    off = base + ns * SEC * CHUNK
                    voff = nb * SEC * CHUNK
                    pltpu.async_copy(ei_hbm.at[pl.ds(off, SEC * CHUNK)],
                                     src_v.at[pl.ds(voff, SEC * CHUNK)], semI)
                    pltpu.async_copy(ei_hbm.at[pl.ds(E + off, SEC * CHUNK)],
                                     dst_v.at[pl.ds(voff, SEC * CHUNK)], semI)

        return carry

    lax.fori_loop(2, N_CHUNKS, body, 0)
    pltpu.make_async_copy(h_hbm.at[pl.ds(0, CHUNK)], rows_v.at[2], semG2).wait()
    pltpu.make_async_copy(h_hbm.at[pl.ds(0, CHUNK)], rows_v.at[0], semS0).wait()
    pltpu.make_async_copy(h_hbm.at[pl.ds(0, CHUNK)], rows_v.at[1], semS1).wait()
    plsc.subcore_barrier()

    pltpu.sync_copy(acc_sh.at[pl.ds(r0, ROWS_PER_TILE)],
                    out_hbm.at[cid, pl.ds(r0, ROWS_PER_TILE)])


_sc_call = functools.partial(
    pl.kernel,
    out_type=jax.ShapeDtypeStruct((NC, N_PAD, D), jnp.float32),
    mesh=plsc.VectorSubcoreMesh(core_axis_name="c", subcore_axis_name="s"),
    scratch_types=[
        pltpu.VMEM((2 * SEC * CHUNK,), jnp.int32),
        pltpu.VMEM((2 * SEC * CHUNK,), jnp.int32),
        pltpu.VMEM((3, CHUNK, D), jnp.float32),
        pltpu.VMEM_SHARED((N_PAD, D), jnp.float32),
        pltpu.SemaphoreType.DMA,
        pltpu.SemaphoreType.DMA,
        pltpu.SemaphoreType.DMA,
        pltpu.SemaphoreType.DMA,
        pltpu.SemaphoreType.DMA,
        pltpu.SemaphoreType.DMA,
        pltpu.SemaphoreType.DMA,
    ],
)(_sc_body)


def _comb_body(p_ref, m_ref, o_ref):
    o_ref[...] = m_ref[...] * (p_ref[0] + p_ref[1])


_comb_call = pl.pallas_call(
    _comb_body,
    grid=(N // BR,),
    in_specs=[
        pl.BlockSpec((NC, BR, D), lambda i: (0, i, 0)),
        pl.BlockSpec((BR, 1), lambda i: (i, 0)),
    ],
    out_specs=pl.BlockSpec((BR, D), lambda i: (i, 0)),
    out_shape=jax.ShapeDtypeStruct((N, D), jnp.float32),
)


def kernel(x, edge_index, mask, W, alphas):
    h = _mm_call(alphas.reshape(1, NPRIM), W, x)
    partial = _sc_call(h, edge_index.reshape(-1))
    maskf = mask.astype(jnp.float32).reshape(N, 1)
    return _comb_call(partial, maskf)

# --- scband reference (transcript-rebuilt; emitter-appended) ---
"""Pipeline reference for scband-network-darts-10496900072259 (READ-ONLY COPY).

The authoritative reference and input builder live on the scoring server;
editing this copy changes nothing except your own understanding.
"""

import jax, jax.numpy as jnp
import numpy as np

N_NODES = 10000
N_EDGES = 320000
D_FEAT = 128
N_PRIM = 4


def setup_inputs(seed: int = 0) -> dict:
    key = jax.random.key(seed)
    k1, k2, k3, k4, k5 = jax.random.split(key, 5)
    x = jax.random.normal(k1, (N_NODES, D_FEAT), dtype=jnp.float32)
    edge_index = jax.random.randint(k2, (2, N_EDGES), 0, N_NODES, dtype=jnp.int32)
    mask = jax.random.randint(k3, (N_NODES,), 0, 2, dtype=jnp.int32)
    W = jax.random.normal(k4, (N_PRIM, D_FEAT, D_FEAT), dtype=jnp.float32) * 0.05
    alphas = jax.random.normal(k5, (N_PRIM,), dtype=jnp.float32) * 0.001
    return {"x": x, "edge_index": edge_index, "mask": mask, "W": W, "alphas": alphas}


def reference(x, edge_index, mask, W, alphas):
    # DARTS MixedOp core: out = sum_i softmax(alpha)_i * spmm(cluster_mask, spmm(adj, op_i(x)))
    # op_i(x) = x @ W_i (per-primitive linear transform)
    # spmm(adj, h) -> gather h at src nodes, scatter-add to dst nodes (segment_sum)
    # cluster_mask is a sparse diagonal 0/1 selection matrix -> row-wise mask multiply
    n = x.shape[0]
    src = edge_index[0]
    dst = edge_index[1]
    weights = jax.nn.softmax(alphas)
    maskf = mask.astype(x.dtype)
    out = jnp.zeros_like(x)
    for i in range(W.shape[0]):
        h = x @ W[i]
        gathered = jnp.take(h, src, axis=0)
        agg = jax.ops.segment_sum(gathered, dst, num_segments=n)
        out = out + weights[i] * (maskf[:, None] * agg)
    return out

if __name__ == "__main__":
    import jax
    _d = setup_inputs()
    print(jax.jit(kernel)(*tuple(_d.values())))

</pallas_src>

<mosaic_0001>
#map = affine_map<(d0, d1) -> (0, 0)>
#map1 = affine_map<(d0, d1) -> (0)>
#map2 = affine_map<(d0, d1) -> (0, 0, 0)>
module attributes {stable_mosaic.version = 14 : i64} {
  func.func @_sc_body(%arg0: i32, %arg1: i32, %arg2: memref<10000x128xf32, #tpu.memory_space<hbm>>, %arg3: memref<640000xi32, #tpu.memory_space<hbm>>, %arg4: memref<2x10240x128xf32, #tpu.memory_space<hbm>>, %arg5: memref<4000xi32, #tpu.memory_space<vmem>>, %arg6: memref<4000xi32, #tpu.memory_space<vmem>>, %arg7: memref<3x80x128xf32, #tpu.memory_space<vmem>>, %arg8: memref<10240x128xf32, #tpu.memory_space<vmem_shared>>, %arg9: memref<!tpu.dma_semaphore, #tpu.memory_space<semaphore_mem>>, %arg10: memref<!tpu.dma_semaphore, #tpu.memory_space<semaphore_mem>>, %arg11: memref<!tpu.dma_semaphore, #tpu.memory_space<semaphore_mem>>, %arg12: memref<!tpu.dma_semaphore, #tpu.memory_space<semaphore_mem>>, %arg13: memref<!tpu.dma_semaphore, #tpu.memory_space<semaphore_mem>>, %arg14: memref<!tpu.dma_semaphore, #tpu.memory_space<semaphore_mem>>, %arg15: memref<!tpu.dma_semaphore, #tpu.memory_space<semaphore_mem>>) attributes {dimension_semantics = [#tpu.dimension_semantics<core_parallel>, #tpu.dimension_semantics<subcore_parallel>], iteration_bounds = array<i64: 2, 16>, scalar_prefetch = 0 : i64, scratch_operands = 11 : i64, tpu.core_type = #tpu.core_type<sc_vector_subcore>, window_params = [{transform_indices = #map}, {transform_indices = #map1}, {transform_indices = #map2}]} {
    %mul3A = arith.constant 16 : i32
    %mul3A_0 = arith.muli %arg0, %mul3A : i32
    %add3A = arith.addi %mul3A_0, %arg1 : i32
    %mul3A_1 = arith.constant 640 : i32
    %mul3A_2 = arith.muli %arg1, %mul3A_1 : i32
    %broadcast_in_dim3A = arith.constant 0.000000e+00 : f32
    %broadcast_in_dim3A_3 = vector.broadcast %broadcast_in_dim3A : f32 to vector<16xf32>
    %scan3A = arith.constant 0 : i32
    %scan3A_4 = arith.constant 0 : i32
    %scan3A_5 = arith.constant 80 : i32
    %scan3A_6 = arith.addi %scan3A_4, %scan3A_5 : i32
    %scan3A_7 = arith.constant 1 : i32
    scf.for %scan3A_216 = %scan3A_4 to %scan3A_6 step %scan3A_7  : i32 {
      %swap3A = arith.constant 0 : i32
      %swap3A_217 = arith.index_cast %swap3A : i32 to index
      %swap3A_218 = arith.index_cast %scan3A_216 : i32 to index
      %swap3A_219 = arith.constant 0 : index
      %swap3A_220 = tpu.vector_load %arg7[%swap3A_217, %swap3A_218, %swap3A_219] {strides = array<i32>} : memref<3x80x128xf32, #tpu.memory_space<vmem>>, vector<1x1x16xf32>,
      %swap3A_221 = vector.shape_cast %swap3A_220 : vector<1x1x16xf32> to vector<16xf32>
      %swap3A_222 = vector.shape_cast %broadcast_in_dim3A_3 : vector<16xf32> to vector<1x1x16xf32>
      tpu.vector_store %arg7[%swap3A_217, %swap3A_218, %swap3A_219], %swap3A_222 {strides = array<i32>} : memref<3x80x128xf32, #tpu.memory_space<vmem>>, vector<1x1x16xf32>,
      %swap3A_223 = arith.constant 0 : i32
      %swap3A_224 = arith.index_cast %swap3A_223 : i32 to index
      %swap3A_225 = arith.index_cast %scan3A_216 : i32 to index
      %swap3A_226 = arith.constant 16 : index
      %swap3A_227 = tpu.vector_load %arg7[%swap3A_224, %swap3A_225, %swap3A_226] {strides = array<i32>} : memref<3x80x128xf32, #tpu.memory_space<vmem>>, vector<1x1x16xf32>,
      %swap3A_228 = vector.shape_cast %swap3A_227 : vector<1x1x16xf32> to vector<16xf32>
      %swap3A_229 = vector.shape_cast %broadcast_in_dim3A_3 : vector<16xf32> to vector<1x1x16xf32>
      tpu.vector_store %arg7[%swap3A_224, %swap3A_225, %swap3A_226], %swap3A_229 {strides = array<i32>} : memref<3x80x128xf32, #tpu.memory_space<vmem>>, vector<1x1x16xf32>,
      %swap3A_230 = arith.constant 0 : i32
      %swap3A_231 = arith.index_cast %swap3A_230 : i32 to index
      %swap3A_232 = arith.index_cast %scan3A_216 : i32 to index
      %swap3A_233 = arith.constant 32 : index
      %swap3A_234 = tpu.vector_load %arg7[%swap3A_231, %swap3A_232, %swap3A_233] {strides = array<i32>} : memref<3x80x128xf32, #tpu.memory_space<vmem>>, vector<1x1x16xf32>,
      %swap3A_235 = vector.shape_cast %swap3A_234 : vector<1x1x16xf32> to vector<16xf32>
      %swap3A_236 = vector.shape_cast %broadcast_in_dim3A_3 : vector<16xf32> to vector<1x1x16xf32>
      tpu.vector_store %arg7[%swap3A_231, %swap3A_232, %swap3A_233], %swap3A_236 {strides = array<i32>} : memref<3x80x128xf32, #tpu.memory_space<vmem>>, vector<1x1x16xf32>,
      %swap3A_237 = arith.constant 0 : i32
      %swap3A_238 = arith.index_cast %swap3A_237 : i32 to index
      %swap3A_239 = arith.index_cast %scan3A_216 : i32 to index
      %swap3A_240 = arith.constant 48 : index
      %swap3A_241 = tpu.vector_load %arg7[%swap3A_238, %swap3A_239, %swap3A_240] {strides = array<i32>} : memref<3x80x128xf32, #tpu.memory_space<vmem>>, vector<1x1x16xf32>,
      %swap3A_242 = vector.shape_cast %swap3A_241 : vector<1x1x16xf32> to vector<16xf32>
      %swap3A_243 = vector.shape_cast %broadcast_in_dim3A_3 : vector<16xf32> to vector<1x1x16xf32>
      tpu.vector_store %arg7[%swap3A_238, %swap3A_239, %swap3A_240], %swap3A_243 {strides = array<i32>} : memref<3x80x128xf32, #tpu.memory_space<vmem>>, vector<1x1x16xf32>,
      %swap3A_244 = arith.constant 0 : i32
      %swap3A_245 = arith.index_cast %swap3A_244 : i32 to index
      %swap3A_246 = arith.index_cast %scan3A_216 : i32 to index
      %swap3A_247 = arith.constant 64 : index
      %swap3A_248 = tpu.vector_load %arg7[%swap3A_245, %swap3A_246, %swap3A_247] {strides = array<i32>} : memref<3x80x128xf32, #tpu.memory_space<vmem>>, vector<1x1x16xf32>,
      %swap3A_249 = vector.shape_cast %swap3A_248 : vector<1x1x16xf32> to vector<16xf32>
      %swap3A_250 = vector.shape_cast %broadcast_in_dim3A_3 : vector<16xf32> to vector<1x1x16xf32>
      tpu.vector_store %arg7[%swap3A_245, %swap3A_246, %swap3A_247], %swap3A_250 {strides = array<i32>} : memref<3x80x128xf32, #tpu.memory_space<vmem>>, vector<1x1x16xf32>,
      %swap3A_251 = arith.constant 0 : i32
      %swap3A_252 = arith.index_cast %swap3A_251 : i32 to index
      %swap3A_253 = arith.index_cast %scan3A_216 : i32 to index
      %swap3A_254 = arith.constant 80 : index
      %swap3A_255 = tpu.vector_load %arg7[%swap3A_252, %swap3A_253, %swap3A_254] {strides = array<i32>} : memref<3x80x128xf32, #tpu.memory_space<vmem>>, vector<1x1x16xf32>,
      %swap3A_256 = vector.shape_cast %swap3A_255 : vector<1x1x16xf32> to vector<16xf32>
      %swap3A_257 = vector.shape_cast %broadcast_in_dim3A_3 : vector<16xf32> to vector<1x1x16xf32>
      tpu.vector_store %arg7[%swap3A_252, %swap3A_253, %swap3A_254], %swap3A_257 {strides = array<i32>} : memref<3x80x128xf32, #tpu.memory_space<vmem>>, vector<1x1x16xf32>,
      %swap3A_258 = arith.constant 0 : i32
      %swap3A_259 = arith.index_cast %swap3A_258 : i32 to index
      %swap3A_260 = arith.index_cast %scan3A_216 : i32 to index
      %swap3A_261 = arith.constant 96 : index
      %swap3A_262 = tpu.vector_load %arg7[%swap3A_259, %swap3A_260, %swap3A_261] {strides = array<i32>} : memref<3x80x128xf32, #tpu.memory_space<vmem>>, vector<1x1x16xf32>,
      %swap3A_263 = vector.shape_cast %swap3A_262 : vector<1x1x16xf32> to vector<16xf32>
      %swap3A_264 = vector.shape_cast %broadcast_in_dim3A_3 : vector<16xf32> to vector<1x1x16xf32>
      tpu.vector_store %arg7[%swap3A_259, %swap3A_260, %swap3A_261], %swap3A_264 {strides = array<i32>} : memref<3x80x128xf32, #tpu.memory_space<vmem>>, vector<1x1x16xf32>,
      %swap3A_265 = arith.constant 0 : i32
      %swap3A_266 = arith.index_cast %swap3A_265 : i32 to index
      %swap3A_267 = arith.index_cast %scan3A_216 : i32 to index
      %swap3A_268 = arith.constant 112 : index
      %swap3A_269 = tpu.vector_load %arg7[%swap3A_266, %swap3A_267, %swap3A_268] {strides = array<i32>} : memref<3x80x128xf32, #tpu.memory_space<vmem>>, vector<1x1x16xf32>,
      %swap3A_270 = vector.shape_cast %swap3A_269 : vector<1x1x16xf32> to vector<16xf32>
      %swap3A_271 = vector.shape_cast %broadcast_in_dim3A_3 : vector<16xf32> to vector<1x1x16xf32>
      tpu.vector_store %arg7[%swap3A_266, %swap3A_267, %swap3A_268], %swap3A_271 {strides = array<i32>} : memref<3x80x128xf32, #tpu.memory_space<vmem>>, vector<1x1x16xf32>,
    }
    %scan3A_8 = arith.constant 80 : i32
    %add3A_9 = arith.constant 0 : i32
    %add3A_10 = arith.addi %mul3A_2, %add3A_9 : i32
    %run_scoped3A = arith.constant 0 : i32
    "tpu.region"() ({
      %run_scoped3A_216 = tpu.sem_alloc : memref<!tpu.dma_semaphore, #tpu.memory_space<semaphore_mem>>
      %dma_start3A_217 = arith.constant 0 : i32
      %dma_start3A_218 = arith.constant 0 : i32
      %dma_start3A_219 = tpu.memref_slice %arg7[%run_scoped3A, %dma_start3A_217, %dma_start3A_218] : memref<3x80x128xf32, #tpu.memory_space<vmem>> -> memref<1x80x128xf32, #tpu.memory_space<vmem>>
      %dma_start3A_220 = tpu.memref_squeeze %dma_start3A_219 : memref<1x80x128xf32, #tpu.memory_space<vmem>> -> memref<80x128xf32, #tpu.memory_space<vmem>>
      %dma_start3A_221 = arith.constant 0 : i32
      %dma_start3A_222 = tpu.memref_slice %arg8[%add3A_10, %dma_start3A_221] : memref<10240x128xf32, #tpu.memory_space<vmem_shared>> -> memref<80x128xf32, #tpu.memory_space<vmem_shared>>
      %dma_start3A_223 = arith.constant 0 : i32
      %dma_start3A_224 = tpu.memref_slice %arg8[%add3A_10, %dma_start3A_223] : memref<10240x128xf32, #tpu.memory_space<vmem_shared>> -> memref<80x128xf32, #tpu.memory_space<vmem_shared>>
      %dma_start3A_225 = arith.constant 0 : i32
      %dma_start3A_226 = arith.constant 0 : i32
      %dma_start3A_227 = tpu.memref_slice %arg7[%run_scoped3A, %dma_start3A_225, %dma_start3A_226] : memref<3x80x128xf32, #tpu.memory_space<vmem>> -> memref<1x80x128xf32, #tpu.memory_space<vmem>>
      %dma_start3A_228 = tpu.memref_squeeze %dma_start3A_227 : memref<1x80x128xf32, #tpu.memory_space<vmem>> -> memref<80x128xf32, #tpu.memory_space<vmem>>
      tpu.enqueue_dma source(%dma_start3A_228 : memref<80x128xf32, #tpu.memory_space<vmem>>) target(%dma_start3A_224 : memref<80x128xf32, #tpu.memory_space<vmem_shared>>) target_semaphore(%run_scoped3A_216 : memref<!tpu.dma_semaphore, #tpu.memory_space<semaphore_mem>>)
      %dma_wait3A_229 = arith.constant 0 : i32
      %dma_wait3A_230 = arith.constant 0 : i32
      %dma_wait3A_231 = tpu.memref_slice %arg7[%run_scoped3A, %dma_wait3A_229, %dma_wait3A_230] : memref<3x80x128xf32, #tpu.memory_space<vmem>> -> memref<1x80x128xf32, #tpu.memory_space<vmem>>
      %dma_wait3A_232 = tpu.memref_squeeze %dma_wait3A_231 : memref<1x80x128xf32, #tpu.memory_space<vmem>> -> memref<80x128xf32, #tpu.memory_space<vmem>>
      %dma_wait3A_233 = arith.constant 0 : i32
      %dma_wait3A_234 = tpu.memref_slice %arg8[%add3A_10, %dma_wait3A_233] : memref<10240x128xf32, #tpu.memory_space<vmem_shared>> -> memref<80x128xf32, #tpu.memory_space<vmem_shared>>
      %dma_wait3A_235 = arith.constant 0 : i32
      %dma_wait3A_236 = tpu.memref_slice %arg8[%add3A_10, %dma_wait3A_235] : memref<10240x128xf32, #tpu.memory_space<vmem_shared>> -> memref<80x128xf32, #tpu.memory_space<vmem_shared>>
      %dma_wait3A_237 = arith.constant 0 : i32
      %dma_wait3A_238 = arith.constant 0 : i32
      %dma_wait3A_239 = tpu.memref_slice %arg7[%run_scoped3A, %dma_wait3A_237, %dma_wait3A_238] : memref<3x80x128xf32, #tpu.memory_space<vmem>> -> memref<1x80x128xf32, #tpu.memory_space<vmem>>
      %dma_wait3A_240 = tpu.memref_squeeze %dma_wait3A_239 : memref<1x80x128xf32, #tpu.memory_space<vmem>> -> memref<80x128xf32, #tpu.memory_space<vmem>>
      tpu.wait_dma2 semaphore(%run_scoped3A_216 : memref<!tpu.dma_semaphore, #tpu.memory_space<semaphore_mem>>) src(%dma_wait3A_240 : memref<80x128xf32, #tpu.memory_space<vmem>>) dst(%dma_wait3A_236 : memref<80x128xf32, #tpu.memory_space<vmem_shared>>)
      tpu.yield
    }) : () -> ()
    %add3A_11 = arith.constant 80 : i32
    %add3A_12 = arith.addi %mul3A_2, %add3A_11 : i32
    %run_scoped3A_13 = arith.constant 0 : i32
    "tpu.region"() ({
      %run_scoped3A_216 = tpu.sem_alloc : memref<!tpu.dma_semaphore, #tpu.memory_space<semaphore_mem>>
      %dma_start3A_217 = arith.constant 0 : i32
      %dma_start3A_218 = arith.constant 0 : i32
      %dma_start3A_219 = tpu.memref_slice %arg7[%run_scoped3A_13, %dma_start3A_217, %dma_start3A_218] : memref<3x80x128xf32, #tpu.memory_space<vmem>> -> memref<1x80x128xf32, #tpu.memory_space<vmem>>
      %dma_start3A_220 = tpu.memref_squeeze %dma_start3A_219 : memref<1x80x128xf32, #tpu.memory_space<vmem>> -> memref<80x128xf32, #tpu.memory_space<vmem>>
      %dma_start3A_221 = arith.constant 0 : i32
      %dma_start3A_222 = tpu.memref_slice %arg8[%add3A_12, %dma_start3A_221] : memref<10240x128xf32, #tpu.memory_space<vmem_shared>> -> memref<80x128xf32, #tpu.memory_space<vmem_shared>>
      %dma_start3A_223 = arith.constant 0 : i32
      %dma_start3A_224 = tpu.memref_slice %arg8[%add3A_12, %dma_start3A_223] : memref<10240x128xf32, #tpu.memory_space<vmem_shared>> -> memref<80x128xf32, #tpu.memory_space<vmem_shared>>
      %dma_start3A_225 = arith.constant 0 : i32
      %dma_start3A_226 = arith.constant 0 : i32
      %dma_start3A_227 = tpu.memref_slice %arg7[%run_scoped3A_13, %dma_start3A_225, %dma_start3A_226] : memref<3x80x128xf32, #tpu.memory_space<vmem>> -> memref<1x80x128xf32, #tpu.memory_space<vmem>>
      %dma_start3A_228 = tpu.memref_squeeze %dma_start3A_227 : memref<1x80x128xf32, #tpu.memory_space<vmem>> -> memref<80x128xf32, #tpu.memory_space<vmem>>
      tpu.enqueue_dma source(%dma_start3A_228 : memref<80x128xf32, #tpu.memory_space<vmem>>) target(%dma_start3A_224 : memref<80x128xf32, #tpu.memory_space<vmem_shared>>) target_semaphore(%run_scoped3A_216 : memref<!tpu.dma_semaphore, #tpu.memory_space<semaphore_mem>>)
      %dma_wait3A_229 = arith.constant 0 : i32
      %dma_wait3A_230 = arith.constant 0 : i32
      %dma_wait3A_231 = tpu.memref_slice %arg7[%run_scoped3A_13, %dma_wait3A_229, %dma_wait3A_230] : memref<3x80x128xf32, #tpu.memory_space<vmem>> -> memref<1x80x128xf32, #tpu.memory_space<vmem>>
      %dma_wait3A_232 = tpu.memref_squeeze %dma_wait3A_231 : memref<1x80x128xf32, #tpu.memory_space<vmem>> -> memref<80x128xf32, #tpu.memory_space<vmem>>
      %dma_wait3A_233 = arith.constant 0 : i32
      %dma_wait3A_234 = tpu.memref_slice %arg8[%add3A_12, %dma_wait3A_233] : memref<10240x128xf32, #tpu.memory_space<vmem_shared>> -> memref<80x128xf32, #tpu.memory_space<vmem_shared>>
      %dma_wait3A_235 = arith.constant 0 : i32
      %dma_wait3A_236 = tpu.memref_slice %arg8[%add3A_12, %dma_wait3A_235] : memref<10240x128xf32, #tpu.memory_space<vmem_shared>> -> memref<80x128xf32, #tpu.memory_space<vmem_shared>>
      %dma_wait3A_237 = arith.constant 0 : i32
      %dma_wait3A_238 = arith.constant 0 : i32
      %dma_wait3A_239 = tpu.memref_slice %arg7[%run_scoped3A_13, %dma_wait3A_237, %dma_wait3A_238] : memref<3x80x128xf32, #tpu.memory_space<vmem>> -> memref<1x80x128xf32, #tpu.memory_space<vmem>>
      %dma_wait3A_240 = tpu.memref_squeeze %dma_wait3A_239 : memref<1x80x128xf32, #tpu.memory_space<vmem>> -> memref<80x128xf32, #tpu.memory_space<vmem>>
      tpu.wait_dma2 semaphore(%run_scoped3A_216 : memref<!tpu.dma_semaphore, #tpu.memory_space<semaphore_mem>>) src(%dma_wait3A_240 : memref<80x128xf32, #tpu.memory_space<vmem>>) dst(%dma_wait3A_236 : memref<80x128xf32, #tpu.memory_space<vmem_shared>>)
      tpu.yield
    }) : () -> ()
    %add3A_14 = arith.constant 160 : i32
    %add3A_15 = arith.addi %mul3A_2, %add3A_14 : i32
    %run_scoped3A_16 = arith.constant 0 : i32
    "tpu.region"() ({
      %run_scoped3A_216 = tpu.sem_alloc : memref<!tpu.dma_semaphore, #tpu.memory_space<semaphore_mem>>
      %dma_start3A_217 = arith.constant 0 : i32
      %dma_start3A_218 = arith.constant 0 : i32
      %dma_start3A_219 = tpu.memref_slice %arg7[%run_scoped3A_16, %dma_start3A_217, %dma_start3A_218] : memref<3x80x128xf32, #tpu.memory_space<vmem>> -> memref<1x80x128xf32, #tpu.memory_space<vmem>>
      %dma_start3A_220 = tpu.memref_squeeze %dma_start3A_219 : memref<1x80x128xf32, #tpu.memory_space<vmem>> -> memref<80x128xf32, #tpu.memory_space<vmem>>
      %dma_start3A_221 = arith.constant 0 : i32
      %dma_start3A_222 = tpu.memref_slice %arg8[%add3A_15, %dma_start3A_221] : memref<10240x128xf32, #tpu.memory_space<vmem_shared>> -> memref<80x128xf32, #tpu.memory_space<vmem_shared>>
      %dma_start3A_223 = arith.constant 0 : i32
      %dma_start3A_224 = tpu.memref_slice %arg8[%add3A_15, %dma_start3A_223] : memref<10240x128xf32, #tpu.memory_space<vmem_shared>> -> memref<80x128xf32, #tpu.memory_space<vmem_shared>>
      %dma_start3A_225 = arith.constant 0 : i32
      %dma_start3A_226 = arith.constant 0 : i32
      %dma_start3A_227 = tpu.memref_slice %arg7[%run_scoped3A_16, %dma_start3A_225, %dma_start3A_226] : memref<3x80x128xf32, #tpu.memory_space<vmem>> -> memref<1x80x128xf32, #tpu.memory_space<vmem>>
      %dma_start3A_228 = tpu.memref_squeeze %dma_start3A_227 : memref<1x80x128xf32, #tpu.memory_space<vmem>> -> memref<80x128xf32, #tpu.memory_space<vmem>>
      tpu.enqueue_dma source(%dma_start3A_228 : memref<80x128xf32, #tpu.memory_space<vmem>>) target(%dma_start3A_224 : memref<80x128xf32, #tpu.memory_space<vmem_shared>>) target_semaphore(%run_scoped3A_216 : memref<!tpu.dma_semaphore, #tpu.memory_space<semaphore_mem>>)
      %dma_wait3A_229 = arith.constant 0 : i32
      %dma_wait3A_230 = arith.constant 0 : i32
      %dma_wait3A_231 = tpu.memref_slice %arg7[%run_scoped3A_16, %dma_wait3A_229, %dma_wait3A_230] : memref<3x80x128xf32, #tpu.memory_space<vmem>> -> memref<1x80x128xf32, #tpu.memory_space<vmem>>
      %dma_wait3A_232 = tpu.memref_squeeze %dma_wait3A_231 : memref<1x80x128xf32, #tpu.memory_space<vmem>> -> memref<80x128xf32, #tpu.memory_space<vmem>>
      %dma_wait3A_233 = arith.constant 0 : i32
      %dma_wait3A_234 = tpu.memref_slice %arg8[%add3A_15, %dma_wait3A_233] : memref<10240x128xf32, #tpu.memory_space<vmem_shared>> -> memref<80x128xf32, #tpu.memory_space<vmem_shared>>
      %dma_wait3A_235 = arith.constant 0 : i32
      %dma_wait3A_236 = tpu.memref_slice %arg8[%add3A_15, %dma_wait3A_235] : memref<10240x128xf32, #tpu.memory_space<vmem_shared>> -> memref<80x128xf32, #tpu.memory_space<vmem_shared>>
      %dma_wait3A_237 = arith.constant 0 : i32
      %dma_wait3A_238 = arith.constant 0 : i32
      %dma_wait3A_239 = tpu.memref_slice %arg7[%run_scoped3A_16, %dma_wait3A_237, %dma_wait3A_238] : memref<3x80x128xf32, #tpu.memory_space<vmem>> -> memref<1x80x128xf32, #tpu.memory_space<vmem>>
      %dma_wait3A_240 = tpu.memref_squeeze %dma_wait3A_239 : memref<1x80x128xf32, #tpu.memory_space<vmem>> -> memref<80x128xf32, #tpu.memory_space<vmem>>
      tpu.wait_dma2 semaphore(%run_scoped3A_216 : memref<!tpu.dma_semaphore, #tpu.memory_space<semaphore_mem>>) src(%dma_wait3A_240 : memref<80x128xf32, #tpu.memory_space<vmem>>) dst(%dma_wait3A_236 : memref<80x128xf32, #tpu.memory_space<vmem_shared>>)
      tpu.yield
    }) : () -> ()
    %add3A_17 = arith.constant 240 : i32
    %add3A_18 = arith.addi %mul3A_2, %add3A_17 : i32
    %run_scoped3A_19 = arith.constant 0 : i32
    "tpu.region"() ({
      %run_scoped3A_216 = tpu.sem_alloc : memref<!tpu.dma_semaphore, #tpu.memory_space<semaphore_mem>>
      %dma_start3A_217 = arith.constant 0 : i32
      %dma_start3A_218 = arith.constant 0 : i32
      %dma_start3A_219 = tpu.memref_slice %arg7[%run_scoped3A_19, %dma_start3A_217, %dma_start3A_218] : memref<3x80x128xf32, #tpu.memory_space<vmem>> -> memref<1x80x128xf32, #tpu.memory_space<vmem>>
      %dma_start3A_220 = tpu.memref_squeeze %dma_start3A_219 : memref<1x80x128xf32, #tpu.memory_space<vmem>> -> memref<80x128xf32, #tpu.memory_space<vmem>>
      %dma_start3A_221 = arith.constant 0 : i32
      %dma_start3A_222 = tpu.memref_slice %arg8[%add3A_18, %dma_start3A_221] : memref<10240x128xf32, #tpu.memory_space<vmem_shared>> -> memref<80x128xf32, #tpu.memory_space<vmem_shared>>
      %dma_start3A_223 = arith.constant 0 : i32
      %dma_start3A_224 = tpu.memref_slice %arg8[%add3A_18, %dma_start3A_223] : memref<10240x128xf32, #tpu.memory_space<vmem_shared>> -> memref<80x128xf32, #tpu.memory_space<vmem_shared>>
      %dma_start3A_225 = arith.constant 0 : i32
      %dma_start3A_226 = arith.constant 0 : i32
      %dma_start3A_227 = tpu.memref_slice %arg7[%run_scoped3A_19, %dma_start3A_225, %dma_start3A_226] : memref<3x80x128xf32, #tpu.memory_space<vmem>> -> memref<1x80x128xf32, #tpu.memory_space<vmem>>
      %dma_start3A_228 = tpu.memref_squeeze %dma_start3A_227 : memref<1x80x128xf32, #tpu.memory_space<vmem>> -> memref<80x128xf32, #tpu.memory_space<vmem>>
      tpu.enqueue_dma source(%dma_start3A_228 : memref<80x128xf32, #tpu.memory_space<vmem>>) target(%dma_start3A_224 : memref<80x128xf32, #tpu.memory_space<vmem_shared>>) target_semaphore(%run_scoped3A_216 : memref<!tpu.dma_semaphore, #tpu.memory_space<semaphore_mem>>)
      %dma_wait3A_229 = arith.constant 0 : i32
      %dma_wait3A_230 = arith.constant 0 : i32
      %dma_wait3A_231 = tpu.memref_slice %arg7[%run_scoped3A_19, %dma_wait3A_229, %dma_wait3A_230] : memref<3x80x128xf32, #tpu.memory_space<vmem>> -> memref<1x80x128xf32, #tpu.memory_space<vmem>>
      %dma_wait3A_232 = tpu.memref_squeeze %dma_wait3A_231 : memref<1x80x128xf32, #tpu.memory_space<vmem>> -> memref<80x128xf32, #tpu.memory_space<vmem>>
      %dma_wait3A_233 = arith.constant 0 : i32
      %dma_wait3A_234 = tpu.memref_slice %arg8[%add3A_18, %dma_wait3A_233] : memref<10240x128xf32, #tpu.memory_space<vmem_shared>> -> memref<80x128xf32, #tpu.memory_space<vmem_shared>>
      %dma_wait3A_235 = arith.constant 0 : i32
      %dma_wait3A_236 = tpu.memref_slice %arg8[%add3A_18, %dma_wait3A_235] : memref<10240x128xf32, #tpu.memory_space<vmem_shared>> -> memref<80x128xf32, #tpu.memory_space<vmem_shared>>
      %dma_wait3A_237 = arith.constant 0 : i32
      %dma_wait3A_238 = arith.constant 0 : i32
      %dma_wait3A_239 = tpu.memref_slice %arg7[%run_scoped3A_19, %dma_wait3A_237, %dma_wait3A_238] : memref<3x80x128xf32, #tpu.memory_space<vmem>> -> memref<1x80x128xf32, #tpu.memory_space<vmem>>
      %dma_wait3A_240 = tpu.memref_squeeze %dma_wait3A_239 : memref<1x80x128xf32, #tpu.memory_space<vmem>> -> memref<80x128xf32, #tpu.memory_space<vmem>>
      tpu.wait_dma2 semaphore(%run_scoped3A_216 : memref<!tpu.dma_semaphore, #tpu.memory_space<semaphore_mem>>) src(%dma_wait3A_240 : memref<80x128xf32, #tpu.memory_space<vmem>>) dst(%dma_wait3A_236 : memref<80x128xf32, #tpu.memory_space<vmem_shared>>)
      tpu.yield
    }) : () -> ()
    %add3A_20 = arith.constant 320 : i32
    %add3A_21 = arith.addi %mul3A_2, %add3A_20 : i32
    %run_scoped3A_22 = arith.constant 0 : i32
    "tpu.region"() ({
      %run_scoped3A_216 = tpu.sem_alloc : memref<!tpu.dma_semaphore, #tpu.memory_space<semaphore_mem>>
      %dma_start3A_217 = arith.constant 0 : i32
      %dma_start3A_218 = arith.constant 0 : i32
      %dma_start3A_219 = tpu.memref_slice %arg7[%run_scoped3A_22, %dma_start3A_217, %dma_start3A_218] : memref<3x80x128xf32, #tpu.memory_space<vmem>> -> memref<1x80x128xf32, #tpu.memory_space<vmem>>
      %dma_start3A_220 = tpu.memref_squeeze %dma_start3A_219 : memref<1x80x128xf32, #tpu.memory_space<vmem>> -> memref<80x128xf32, #tpu.memory_space<vmem>>
      %dma_start3A_221 = arith.constant 0 : i32
      %dma_start3A_222 = tpu.memref_slice %arg8[%add3A_21, %dma_start3A_221] : memref<10240x128xf32, #tpu.memory_space<vmem_shared>> -> memref<80x128xf32, #tpu.memory_space<vmem_shared>>
      %dma_start3A_223 = arith.constant 0 : i32
      %dma_start3A_224 = tpu.memref_slice %arg8[%add3A_21, %dma_start3A_223] : memref<10240x128xf32, #tpu.memory_space<vmem_shared>> -> memref<80x128xf32, #tpu.memory_space<vmem_shared>>
      %dma_start3A_225 = arith.constant 0 : i32
      %dma_start3A_226 = arith.constant 0 : i32
      %dma_start3A_227 = tpu.memref_slice %arg7[%run_scoped3A_22, %dma_start3A_225, %dma_start3A_226] : memref<3x80x128xf32, #tpu.memory_space<vmem>> -> memref<1x80x128xf32, #tpu.memory_space<vmem>>
      %dma_start3A_228 = tpu.memref_squeeze %dma_start3A_227 : memref<1x80x128xf32, #tpu.memory_space<vmem>> -> memref<80x128xf32, #tpu.memory_space<vmem>>
      tpu.enqueue_dma source(%dma_start3A_228 : memref<80x128xf32, #tpu.memory_space<vmem>>) target(%dma_start3A_224 : memref<80x128xf32, #tpu.memory_space<vmem_shared>>) target_semaphore(%run_scoped3A_216 : memref<!tpu.dma_semaphore, #tpu.memory_space<semaphore_mem>>)
      %dma_wait3A_229 = arith.constant 0 : i32
      %dma_wait3A_230 = arith.constant 0 : i32
      %dma_wait3A_231 = tpu.memref_slice %arg7[%run_scoped3A_22, %dma_wait3A_229, %dma_wait3A_230] : memref<3x80x128xf32, #tpu.memory_space<vmem>> -> memref<1x80x128xf32, #tpu.memory_space<vmem>>
      %dma_wait3A_232 = tpu.memref_squeeze %dma_wait3A_231 : memref<1x80x128xf32, #tpu.memory_space<vmem>> -> memref<80x128xf32, #tpu.memory_space<vmem>>
      %dma_wait3A_233 = arith.constant 0 : i32
      %dma_wait3A_234 = tpu.memref_slice %arg8[%add3A_21, %dma_wait3A_233] : memref<10240x128xf32, #tpu.memory_space<vmem_shared>> -> memref<80x128xf32, #tpu.memory_space<vmem_shared>>
      %dma_wait3A_235 = arith.constant 0 : i32
      %dma_wait3A_236 = tpu.memref_slice %arg8[%add3A_21, %dma_wait3A_235] : memref<10240x128xf32, #tpu.memory_space<vmem_shared>> -> memref<80x128xf32, #tpu.memory_space<vmem_shared>>
      %dma_wait3A_237 = arith.constant 0 : i32
      %dma_wait3A_238 = arith.constant 0 : i32
      %dma_wait3A_239 = tpu.memref_slice %arg7[%run_scoped3A_22, %dma_wait3A_237, %dma_wait3A_238] : memref<3x80x128xf32, #tpu.memory_space<vmem>> -> memref<1x80x128xf32, #tpu.memory_space<vmem>>
      %dma_wait3A_240 = tpu.memref_squeeze %dma_wait3A_239 : memref<1x80x128xf32, #tpu.memory_space<vmem>> -> memref<80x128xf32, #tpu.memory_space<vmem>>
      tpu.wait_dma2 semaphore(%run_scoped3A_216 : memref<!tpu.dma_semaphore, #tpu.memory_space<semaphore_mem>>) src(%dma_wait3A_240 : memref<80x128xf32, #tpu.memory_space<vmem>>) dst(%dma_wait3A_236 : memref<80x128xf32, #tpu.memory_space<vmem_shared>>)
      tpu.yield
    }) : () -> ()
    %add3A_23 = arith.constant 400 : i32
    %add3A_24 = arith.addi %mul3A_2, %add3A_23 : i32
    %run_scoped3A_25 = arith.constant 0 : i32
    "tpu.region"() ({
      %run_scoped3A_216 = tpu.sem_alloc : memref<!tpu.dma_semaphore, #tpu.memory_space<semaphore_mem>>
      %dma_start3A_217 = arith.constant 0 : i32
      %dma_start3A_218 = arith.constant 0 : i32
      %dma_start3A_219 = tpu.memref_slice %arg7[%run_scoped3A_25, %dma_start3A_217, %dma_start3A_218] : memref<3x80x128xf32, #tpu.memory_space<vmem>> -> memref<1x80x128xf32, #tpu.memory_space<vmem>>
      %dma_start3A_220 = tpu.memref_squeeze %dma_start3A_219 : memref<1x80x128xf32, #tpu.memory_space<vmem>> -> memref<80x128xf32, #tpu.memory_space<vmem>>
      %dma_start3A_221 = arith.constant 0 : i32
      %dma_start3A_222 = tpu.memref_slice %arg8[%add3A_24, %dma_start3A_221] : memref<10240x128xf32, #tpu.memory_space<vmem_shared>> -> memref<80x128xf32, #tpu.memory_space<vmem_shared>>
      %dma_start3A_223 = arith.constant 0 : i32
      %dma_start3A_224 = tpu.memref_slice %arg8[%add3A_24, %dma_start3A_223] : memref<10240x128xf32, #tpu.memory_space<vmem_shared>> -> memref<80x128xf32, #tpu.memory_space<vmem_shared>>
      %dma_start3A_225 = arith.constant 0 : i32
      %dma_start3A_226 = arith.constant 0 : i32
      %dma_start3A_227 = tpu.memref_slice %arg7[%run_scoped3A_25, %dma_start3A_225, %dma_start3A_226] : memref<3x80x128xf32, #tpu.memory_space<vmem>> -> memref<1x80x128xf32, #tpu.memory_space<vmem>>
      %dma_start3A_228 = tpu.memref_squeeze %dma_start3A_227 : memref<1x80x128xf32, #tpu.memory_space<vmem>> -> memref<80x128xf32, #tpu.memory_space<vmem>>
      tpu.enqueue_dma source(%dma_start3A_228 : memref<80x128xf32, #tpu.memory_space<vmem>>) target(%dma_start3A_224 : memref<80x128xf32, #tpu.memory_space<vmem_shared>>) target_semaphore(%run_scoped3A_216 : memref<!tpu.dma_semaphore, #tpu.memory_space<semaphore_mem>>)
      %dma_wait3A_229 = arith.constant 0 : i32
      %dma_wait3A_230 = arith.constant 0 : i32
      %dma_wait3A_231 = tpu.memref_slice %arg7[%run_scoped3A_25, %dma_wait3A_229, %dma_wait3A_230] : memref<3x80x128xf32, #tpu.memory_space<vmem>> -> memref<1x80x128xf32, #tpu.memory_space<vmem>>
      %dma_wait3A_232 = tpu.memref_squeeze %dma_wait3A_231 : memref<1x80x128xf32, #tpu.memory_space<vmem>> -> memref<80x128xf32, #tpu.memory_space<vmem>>
      %dma_wait3A_233 = arith.constant 0 : i32
      %dma_wait3A_234 = tpu.memref_slice %arg8[%add3A_24, %dma_wait3A_233] : memref<10240x128xf32, #tpu.memory_space<vmem_shared>> -> memref<80x128xf32, #tpu.memory_space<vmem_shared>>
      %dma_wait3A_235 = arith.constant 0 : i32
      %dma_wait3A_236 = tpu.memref_slice %arg8[%add3A_24, %dma_wait3A_235] : memref<10240x128xf32, #tpu.memory_space<vmem_shared>> -> memref<80x128xf32, #tpu.memory_space<vmem_shared>>
      %dma_wait3A_237 = arith.constant 0 : i32
      %dma_wait3A_238 = arith.constant 0 : i32
      %dma_wait3A_239 = tpu.memref_slice %arg7[%run_scoped3A_25, %dma_wait3A_237, %dma_wait3A_238] : memref<3x80x128xf32, #tpu.memory_space<vmem>> -> memref<1x80x128xf32, #tpu.memory_space<vmem>>
      %dma_wait3A_240 = tpu.memref_squeeze %dma_wait3A_239 : memref<1x80x128xf32, #tpu.memory_space<vmem>> -> memref<80x128xf32, #tpu.memory_space<vmem>>
      tpu.wait_dma2 semaphore(%run_scoped3A_216 : memref<!tpu.dma_semaphore, #tpu.memory_space<semaphore_mem>>) src(%dma_wait3A_240 : memref<80x128xf32, #tpu.memory_space<vmem>>) dst(%dma_wait3A_236 : memref<80x128xf32, #tpu.memory_space<vmem_shared>>)
      tpu.yield
    }) : () -> ()
    %add3A_26 = arith.constant 480 : i32
    %add3A_27 = arith.addi %mul3A_2, %add3A_26 : i32
    %run_scoped3A_28 = arith.constant 0 : i32
    "tpu.region"() ({
      %run_scoped3A_216 = tpu.sem_alloc : memref<!tpu.dma_semaphore, #tpu.memory_space<semaphore_mem>>
      %dma_start3A_217 = arith.constant 0 : i32
      %dma_start3A_218 = arith.constant 0 : i32
      %dma_start3A_219 = tpu.memref_slice %arg7[%run_scoped3A_28, %dma_start3A_217, %dma_start3A_218] : memref<3x80x128xf32, #tpu.memory_space<vmem>> -> memref<1x80x128xf32, #tpu.memory_space<vmem>>
      %dma_start3A_220 = tpu.memref_squeeze %dma_start3A_219 : memref<1x80x128xf32, #tpu.memory_space<vmem>> -> memref<80x128xf32, #tpu.memory_space<vmem>>
      %dma_start3A_221 = arith.constant 0 : i32
      %dma_start3A_222 = tpu.memref_slice %arg8[%add3A_27, %dma_start3A_221] : memref<10240x128xf32, #tpu.memory_space<vmem_shared>> -> memref<80x128xf32, #tpu.memory_space<vmem_shared>>
      %dma_start3A_223 = arith.constant 0 : i32
      %dma_start3A_224 = tpu.memref_slice %arg8[%add3A_27, %dma_start3A_223] : memref<10240x128xf32, #tpu.memory_space<vmem_shared>> -> memref<80x128xf32, #tpu.memory_space<vmem_shared>>
      %dma_start3A_225 = arith.constant 0 : i32
      %dma_start3A_226 = arith.constant 0 : i32
      %dma_start3A_227 = tpu.memref_slice %arg7[%run_scoped3A_28, %dma_start3A_225, %dma_start3A_226] : memref<3x80x128xf32, #tpu.memory_space<vmem>> -> memref<1x80x128xf32, #tpu.memory_space<vmem>>
      %dma_start3A_228 = tpu.memref_squeeze %dma_start3A_227 : memref<1x80x128xf32, #tpu.memory_space<vmem>> -> memref<80x128xf32, #tpu.memory_space<vmem>>
      tpu.enqueue_dma source(%dma_start3A_228 : memref<80x128xf32, #tpu.memory_space<vmem>>) target(%dma_start3A_224 : memref<80x128xf32, #tpu.memory_space<vmem_shared>>) target_semaphore(%run_scoped3A_216 : memref<!tpu.dma_semaphore, #tpu.memory_space<semaphore_mem>>)
      %dma_wait3A_229 = arith.constant 0 : i32
      %dma_wait3A_230 = arith.constant 0 : i32
      %dma_wait3A_231 = tpu.memref_slice %arg7[%run_scoped3A_28, %dma_wait3A_229, %dma_wait3A_230] : memref<3x80x128xf32, #tpu.memory_space<vmem>> -> memref<1x80x128xf32, #tpu.memory_space<vmem>>
      %dma_wait3A_232 = tpu.memref_squeeze %dma_wait3A_231 : memref<1x80x128xf32, #tpu.memory_space<vmem>> -> memref<80x128xf32, #tpu.memory_space<vmem>>
      %dma_wait3A_233 = arith.constant 0 : i32
      %dma_wait3A_234 = tpu.memref_slice %arg8[%add3A_27, %dma_wait3A_233] : memref<10240x128xf32, #tpu.memory_space<vmem_shared>> -> memref<80x128xf32, #tpu.memory_space<vmem_shared>>
      %dma_wait3A_235 = arith.constant 0 : i32
      %dma_wait3A_236 = tpu.memref_slice %arg8[%add3A_27, %dma_wait3A_235] : memref<10240x128xf32, #tpu.memory_space<vmem_shared>> -> memref<80x128xf32, #tpu.memory_space<vmem_shared>>
      %dma_wait3A_237 = arith.constant 0 : i32
      %dma_wait3A_238 = arith.constant 0 : i32
      %dma_wait3A_239 = tpu.memref_slice %arg7[%run_scoped3A_28, %dma_wait3A_237, %dma_wait3A_238] : memref<3x80x128xf32, #tpu.memory_space<vmem>> -> memref<1x80x128xf32, #tpu.memory_space<vmem>>
      %dma_wait3A_240 = tpu.memref_squeeze %dma_wait3A_239 : memref<1x80x128xf32, #tpu.memory_space<vmem>> -> memref<80x128xf32, #tpu.memory_space<vmem>>
      tpu.wait_dma2 semaphore(%run_scoped3A_216 : memref<!tpu.dma_semaphore, #tpu.memory_space<semaphore_mem>>) src(%dma_wait3A_240 : memref<80x128xf32, #tpu.memory_space<vmem>>) dst(%dma_wait3A_236 : memref<80x128xf32, #tpu.memory_space<vmem_shared>>)
      tpu.yield
    }) : () -> ()
    %add3A_29 = arith.constant 560 : i32
    %add3A_30 = arith.addi %mul3A_2, %add3A_29 : i32
    %run_scoped3A_31 = arith.constant 0 : i32
    "tpu.region"() ({
      %run_scoped3A_216 = tpu.sem_alloc : memref<!tpu.dma_semaphore, #tpu.memory_space<semaphore_mem>>
      %dma_start3A_217 = arith.constant 0 : i32
      %dma_start3A_218 = arith.constant 0 : i32
      %dma_start3A_219 = tpu.memref_slice %arg7[%run_scoped3A_31, %dma_start3A_217, %dma_start3A_218] : memref<3x80x128xf32, #tpu.memory_space<vmem>> -> memref<1x80x128xf32, #tpu.memory_space<vmem>>
      %dma_start3A_220 = tpu.memref_squeeze %dma_start3A_219 : memref<1x80x128xf32, #tpu.memory_space<vmem>> -> memref<80x128xf32, #tpu.memory_space<vmem>>
      %dma_start3A_221 = arith.constant 0 : i32
      %dma_start3A_222 = tpu.memref_slice %arg8[%add3A_30, %dma_start3A_221] : memref<10240x128xf32, #tpu.memory_space<vmem_shared>> -> memref<80x128xf32, #tpu.memory_space<vmem_shared>>
      %dma_start3A_223 = arith.constant 0 : i32
      %dma_start3A_224 = tpu.memref_slice %arg8[%add3A_30, %dma_start3A_223] : memref<10240x128xf32, #tpu.memory_space<vmem_shared>> -> memref<80x128xf32, #tpu.memory_space<vmem_shared>>
      %dma_start3A_225 = arith.constant 0 : i32
      %dma_start3A_226 = arith.constant 0 : i32
      %dma_start3A_227 = tpu.memref_slice %arg7[%run_scoped3A_31, %dma_start3A_225, %dma_start3A_226] : memref<3x80x128xf32, #tpu.memory_space<vmem>> -> memref<1x80x128xf32, #tpu.memory_space<vmem>>
      %dma_start3A_228 = tpu.memref_squeeze %dma_start3A_227 : memref<1x80x128xf32, #tpu.memory_space<vmem>> -> memref<80x128xf32, #tpu.memory_space<vmem>>
      tpu.enqueue_dma source(%dma_start3A_228 : memref<80x128xf32, #tpu.memory_space<vmem>>) target(%dma_start3A_224 : memref<80x128xf32, #tpu.memory_space<vmem_shared>>) target_semaphore(%run_scoped3A_216 : memref<!tpu.dma_semaphore, #tpu.memory_space<semaphore_mem>>)
      %dma_wait3A_229 = arith.constant 0 : i32
      %dma_wait3A_230 = arith.constant 0 : i32
      %dma_wait3A_231 = tpu.memref_slice %arg7[%run_scoped3A_31, %dma_wait3A_229, %dma_wait3A_230] : memref<3x80x128xf32, #tpu.memory_space<vmem>> -> memref<1x80x128xf32, #tpu.memory_space<vmem>>
      %dma_wait3A_232 = tpu.memref_squeeze %dma_wait3A_231 : memref<1x80x128xf32, #tpu.memory_space<vmem>> -> memref<80x128xf32, #tpu.memory_space<vmem>>
      %dma_wait3A_233 = arith.constant 0 : i32
      %dma_wait3A_234 = tpu.memref_slice %arg8[%add3A_30, %dma_wait3A_233] : memref<10240x128xf32, #tpu.memory_space<vmem_shared>> -> memref<80x128xf32, #tpu.memory_space<vmem_shared>>
      %dma_wait3A_235 = arith.constant 0 : i32
      %dma_wait3A_236 = tpu.memref_slice %arg8[%add3A_30, %dma_wait3A_235] : memref<10240x128xf32, #tpu.memory_space<vmem_shared>> -> memref<80x128xf32, #tpu.memory_space<vmem_shared>>
      %dma_wait3A_237 = arith.constant 0 : i32
      %dma_wait3A_238 = arith.constant 0 : i32
      %dma_wait3A_239 = tpu.memref_slice %arg7[%run_scoped3A_31, %dma_wait3A_237, %dma_wait3A_238] : memref<3x80x128xf32, #tpu.memory_space<vmem>> -> memref<1x80x128xf32, #tpu.memory_space<vmem>>
      %dma_wait3A_240 = tpu.memref_squeeze %dma_wait3A_239 : memref<1x80x128xf32, #tpu.memory_space<vmem>> -> memref<80x128xf32, #tpu.memory_space<vmem>>
      tpu.wait_dma2 semaphore(%run_scoped3A_216 : memref<!tpu.dma_semaphore, #tpu.memory_space<semaphore_mem>>) src(%dma_wait3A_240 : memref<80x128xf32, #tpu.memory_space<vmem>>) dst(%dma_wait3A_236 : memref<80x128xf32, #tpu.memory_space<vmem_shared>>)
      tpu.yield
    }) : () -> ()
    %barrier3A = arith.constant 0 : index
    tpu.barrier barrier_id(%barrier3A)
    %mul3A_32 = arith.constant 10000 : i32
    %mul3A_33 = arith.muli %add3A, %mul3A_32 : i32
    "tpu.region"() ({
      %run_scoped3A_216 = tpu.sem_alloc : memref<!tpu.dma_semaphore, #tpu.memory_space<semaphore_mem>>
      %dma_start3A_217 = arith.constant 0 : i32
      %dma_start3A_218 = tpu.memref_slice %arg5[%dma_start3A_217] : memref<4000xi32, #tpu.memory_space<vmem>> -> memref<2000xi32, #tpu.memory_space<vmem>>
      %dma_start3A_219 = tpu.memref_slice %arg3[%mul3A_33] : memref<640000xi32, #tpu.memory_space<hbm>> -> memref<2000xi32, #tpu.memory_space<hbm>>
      %dma_start3A_220 = arith.constant 0 : i32
      %dma_start3A_221 = tpu.memref_slice %arg5[%dma_start3A_220] : memref<4000xi32, #tpu.memory_space<vmem>> -> memref<2000xi32, #tpu.memory_space<vmem>>
      %dma_start3A_222 = tpu.memref_slice %arg3[%mul3A_33] : memref<640000xi32, #tpu.memory_space<hbm>> -> memref<2000xi32, #tpu.memory_space<hbm>>
      tpu.enqueue_dma source(%dma_start3A_222 : memref<2000xi32, #tpu.memory_space<hbm>>) target(%dma_start3A_221 : memref<2000xi32, #tpu.memory_space<vmem>>) target_semaphore(%run_scoped3A_216 : memref<!tpu.dma_semaphore, #tpu.memory_space<semaphore_mem>>)
      %dma_wait3A_223 = arith.constant 0 : i32
      %dma_wait3A_224 = tpu.memref_slice %arg5[%dma_wait3A_223] : memref<4000xi32, #tpu.memory_space<vmem>> -> memref<2000xi32, #tpu.memory_space<vmem>>
      %dma_wait3A_225 = tpu.memref_slice %arg3[%mul3A_33] : memref<640000xi32, #tpu.memory_space<hbm>> -> memref<2000xi32, #tpu.memory_space<hbm>>
      %dma_wait3A_226 = arith.constant 0 : i32
      %dma_wait3A_227 = tpu.memref_slice %arg5[%dma_wait3A_226] : memref<4000xi32, #tpu.memory_space<vmem>> -> memref<2000xi32, #tpu.memory_space<vmem>>
      %dma_wait3A_228 = tpu.memref_slice %arg3[%mul3A_33] : memref<640000xi32, #tpu.memory_space<hbm>> -> memref<2000xi32, #tpu.memory_space<hbm>>
      tpu.wait_dma2 semaphore(%run_scoped3A_216 : memref<!tpu.dma_semaphore, #tpu.memory_space<semaphore_mem>>) src(%dma_wait3A_228 : memref<2000xi32, #tpu.memory_space<hbm>>) dst(%dma_wait3A_227 : memref<2000xi32, #tpu.memory_space<vmem>>)
      tpu.yield
    }) : () -> ()
    %add3A_34 = arith.constant 320000 : i32
    %add3A_35 = arith.addi %add3A_34, %mul3A_33 : i32
    "tpu.region"() ({
      %run_scoped3A_216 = tpu.sem_alloc : memref<!tpu.dma_semaphore, #tpu.memory_space<semaphore_mem>>
      %dma_start3A_217 = arith.constant 0 : i32
      %dma_start3A_218 = tpu.memref_slice %arg6[%dma_start3A_217] : memref<4000xi32, #tpu.memory_space<vmem>> -> memref<2000xi32, #tpu.memory_space<vmem>>
      %dma_start3A_219 = tpu.memref_slice %arg3[%add3A_35] : memref<640000xi32, #tpu.memory_space<hbm>> -> memref<2000xi32, #tpu.memory_space<hbm>>
      %dma_start3A_220 = arith.constant 0 : i32
      %dma_start3A_221 = tpu.memref_slice %arg6[%dma_start3A_220] : memref<4000xi32, #tpu.memory_space<vmem>> -> memref<2000xi32, #tpu.memory_space<vmem>>
      %dma_start3A_222 = tpu.memref_slice %arg3[%add3A_35] : memref<640000xi32, #tpu.memory_space<hbm>> -> memref<2000xi32, #tpu.memory_space<hbm>>
      tpu.enqueue_dma source(%dma_start3A_222 : memref<2000xi32, #tpu.memory_space<hbm>>) target(%dma_start3A_221 : memref<2000xi32, #tpu.memory_space<vmem>>) target_semaphore(%run_scoped3A_216 : memref<!tpu.dma_semaphore, #tpu.memory_space<semaphore_mem>>)
      %dma_wait3A_223 = arith.constant 0 : i32
      %dma_wait3A_224 = tpu.memref_slice %arg6[%dma_wait3A_223] : memref<4000xi32, #tpu.memory_space<vmem>> -> memref<2000xi32, #tpu.memory_space<vmem>>
      %dma_wait3A_225 = tpu.memref_slice %arg3[%add3A_35] : memref<640000xi32, #tpu.memory_space<hbm>> -> memref<2000xi32, #tpu.memory_space<hbm>>
      %dma_wait3A_226 = arith.constant 0 : i32
      %dma_wait3A_227 = tpu.memref_slice %arg6[%dma_wait3A_226] : memref<4000xi32, #tpu.memory_space<vmem>> -> memref<2000xi32, #tpu.memory_space<vmem>>
      %dma_wait3A_228 = tpu.memref_slice %arg3[%add3A_35] : memref<640000xi32, #tpu.memory_space<hbm>> -> memref<2000xi32, #tpu.memory_space<hbm>>
      tpu.wait_dma2 semaphore(%run_scoped3A_216 : memref<!tpu.dma_semaphore, #tpu.memory_space<semaphore_mem>>) src(%dma_wait3A_228 : memref<2000xi32, #tpu.memory_space<hbm>>) dst(%dma_wait3A_227 : memref<2000xi32, #tpu.memory_space<vmem>>)
      tpu.yield
    }) : () -> ()
    %dma_start3A = arith.constant 0 : i32
    %dma_start3A_36 = arith.constant 0 : i32
    %dma_start3A_37 = arith.constant 0 : i32
    %dma_start3A_38 = tpu.memref_slice %arg7[%dma_start3A, %dma_start3A_36, %dma_start3A_37] : memref<3x80x128xf32, #tpu.memory_space<vmem>> -> memref<1x40x128xf32, #tpu.memory_space<vmem>>
    %dma_start3A_39 = tpu.memref_squeeze %dma_start3A_38 : memref<1x40x128xf32, #tpu.memory_space<vmem>> -> memref<40x128xf32, #tpu.memory_space<vmem>>
    %dma_start3A_40 = arith.constant 0 : i32
    %dma_start3A_41 = tpu.memref_slice %arg5[%dma_start3A_40] : memref<4000xi32, #tpu.memory_space<vmem>> -> memref<40xi32, #tpu.memory_space<vmem>>
    %dma_start3A_42 = arith.constant 0 : i32
    %dma_start3A_43 = arith.constant 0 : i32
    %dma_start3A_44 = tpu.memref_slice %arg2[%dma_start3A_42, %dma_start3A_43] : memref<10000x128xf32, #tpu.memory_space<hbm>> -> memref<10000x128xf32, #tpu.memory_space<hbm>>
    tpu.enqueue_indirect_dma source(%dma_start3A_44 : memref<10000x128xf32, #tpu.memory_space<hbm>>) target(%dma_start3A_39 : memref<40x128xf32, #tpu.memory_space<vmem>>) offsets(%dma_start3A_41 : memref<40xi32, #tpu.memory_space<vmem>>) semaphore(%arg9 : memref<!tpu.dma_semaphore, #tpu.memory_space<semaphore_mem>>)
    %dma_start3A_45 = arith.constant 0 : i32
    %dma_start3A_46 = arith.constant 40 : i32
    %dma_start3A_47 = arith.constant 0 : i32
    %dma_start3A_48 = tpu.memref_slice %arg7[%dma_start3A_45, %dma_start3A_46, %dma_start3A_47] : memref<3x80x128xf32, #tpu.memory_space<vmem>> -> memref<1x40x128xf32, #tpu.memory_space<vmem>>
    %dma_start3A_49 = tpu.memref_squeeze %dma_start3A_48 : memref<1x40x128xf32, #tpu.memory_space<vmem>> -> memref<40x128xf32, #tpu.memory_space<vmem>>
    %dma_start3A_50 = arith.constant 40 : i32
    %dma_start3A_51 = tpu.memref_slice %arg5[%dma_start3A_50] : memref<4000xi32, #tpu.memory_space<vmem>> -> memref<40xi32, #tpu.memory_space<vmem>>
    %dma_start3A_52 = arith.constant 0 : i32
    %dma_start3A_53 = arith.constant 0 : i32
    %dma_start3A_54 = tpu.memref_slice %arg2[%dma_start3A_52, %dma_start3A_53] : memref<10000x128xf32, #tpu.memory_space<hbm>> -> memref<10000x128xf32, #tpu.memory_space<hbm>>
    tpu.enqueue_indirect_dma source(%dma_start3A_54 : memref<10000x128xf32, #tpu.memory_space<hbm>>) target(%dma_start3A_49 : memref<40x128xf32, #tpu.memory_space<vmem>>) offsets(%dma_start3A_51 : memref<40xi32, #tpu.memory_space<vmem>>) semaphore(%arg9 : memref<!tpu.dma_semaphore, #tpu.memory_space<semaphore_mem>>)
    %dma_start3A_55 = arith.constant 1 : i32
    %dma_start3A_56 = arith.constant 0 : i32
    %dma_start3A_57 = arith.constant 0 : i32
    %dma_start3A_58 = tpu.memref_slice %arg7[%dma_start3A_55, %dma_start3A_56, %dma_start3A_57] : memref<3x80x128xf32, #tpu.memory_space<vmem>> -> memref<1x40x128xf32, #tpu.memory_space<vmem>>
    %dma_start3A_59 = tpu.memref_squeeze %dma_start3A_58 : memref<1x40x128xf32, #tpu.memory_space<vmem>> -> memref<40x128xf32, #tpu.memory_space<vmem>>
    %dma_start3A_60 = arith.constant 80 : i32
    %dma_start3A_61 = tpu.memref_slice %arg5[%dma_start3A_60] : memref<4000xi32, #tpu.memory_space<vmem>> -> memref<40xi32, #tpu.memory_space<vmem>>
    %dma_start3A_62 = arith.constant 0 : i32
    %dma_start3A_63 = arith.constant 0 : i32
    %dma_start3A_64 = tpu.memref_slice %arg2[%dma_start3A_62, %dma_start3A_63] : memref<10000x128xf32, #tpu.memory_space<hbm>> -> memref<10000x128xf32, #tpu.memory_space<hbm>>
    tpu.enqueue_indirect_dma source(%dma_start3A_64 : memref<10000x128xf32, #tpu.memory_space<hbm>>) target(%dma_start3A_59 : memref<40x128xf32, #tpu.memory_space<vmem>>) offsets(%dma_start3A_61 : memref<40xi32, #tpu.memory_space<vmem>>) semaphore(%arg10 : memref<!tpu.dma_semaphore, #tpu.memory_space<semaphore_mem>>)
    %dma_start3A_65 = arith.constant 1 : i32
    %dma_start3A_66 = arith.constant 40 : i32
    %dma_start3A_67 = arith.constant 0 : i32
    %dma_start3A_68 = tpu.memref_slice %arg7[%dma_start3A_65, %dma_start3A_66, %dma_start3A_67] : memref<3x80x128xf32, #tpu.memory_space<vmem>> -> memref<1x40x128xf32, #tpu.memory_space<vmem>>
    %dma_start3A_69 = tpu.memref_squeeze %dma_start3A_68 : memref<1x40x128xf32, #tpu.memory_space<vmem>> -> memref<40x128xf32, #tpu.memory_space<vmem>>
    %dma_start3A_70 = arith.constant 120 : i32
    %dma_start3A_71 = tpu.memref_slice %arg5[%dma_start3A_70] : memref<4000xi32, #tpu.memory_space<vmem>> -> memref<40xi32, #tpu.memory_space<vmem>>
    %dma_start3A_72 = arith.constant 0 : i32
    %dma_start3A_73 = arith.constant 0 : i32
    %dma_start3A_74 = tpu.memref_slice %arg2[%dma_start3A_72, %dma_start3A_73] : memref<10000x128xf32, #tpu.memory_space<hbm>> -> memref<10000x128xf32, #tpu.memory_space<hbm>>
    tpu.enqueue_indirect_dma source(%dma_start3A_74 : memref<10000x128xf32, #tpu.memory_space<hbm>>) target(%dma_start3A_69 : memref<40x128xf32, #tpu.memory_space<vmem>>) offsets(%dma_start3A_71 : memref<40xi32, #tpu.memory_space<vmem>>) semaphore(%arg10 : memref<!tpu.dma_semaphore, #tpu.memory_space<semaphore_mem>>)
    %dma_wait3A = arith.constant 0 : i32
    %dma_wait3A_75 = arith.constant 0 : i32
    %dma_wait3A_76 = arith.constant 0 : i32
    %dma_wait3A_77 = tpu.memref_slice %arg7[%dma_wait3A, %dma_wait3A_75, %dma_wait3A_76] : memref<3x80x128xf32, #tpu.memory_space<vmem>> -> memref<1x80x128xf32, #tpu.memory_space<vmem>>
    %dma_wait3A_78 = tpu.memref_squeeze %dma_wait3A_77 : memref<1x80x128xf32, #tpu.memory_space<vmem>> -> memref<80x128xf32, #tpu.memory_space<vmem>>
    %dma_wait3A_79 = arith.constant 0 : i32
    %dma_wait3A_80 = arith.constant 0 : i32
    %dma_wait3A_81 = tpu.memref_slice %arg2[%dma_wait3A_79, %dma_wait3A_80] : memref<10000x128xf32, #tpu.memory_space<hbm>> -> memref<80x128xf32, #tpu.memory_space<hbm>>
    %dma_wait3A_82 = arith.constant 0 : i32
    %dma_wait3A_83 = arith.constant 0 : i32
    %dma_wait3A_84 = tpu.memref_slice %arg7[%dma_wait3A, %dma_wait3A_82, %dma_wait3A_83] : memref<3x80x128xf32, #tpu.memory_space<vmem>> -> memref<1x80x128xf32, #tpu.memory_space<vmem>>
    %dma_wait3A_85 = tpu.memref_squeeze %dma_wait3A_84 : memref<1x80x128xf32, #tpu.memory_space<vmem>> -> memref<80x128xf32, #tpu.memory_space<vmem>>
    %dma_wait3A_86 = arith.constant 0 : i32
    %dma_wait3A_87 = arith.constant 0 : i32
    %dma_wait3A_88 = tpu.memref_slice %arg2[%dma_wait3A_86, %dma_wait3A_87] : memref<10000x128xf32, #tpu.memory_space<hbm>> -> memref<80x128xf32, #tpu.memory_space<hbm>>
    tpu.wait_dma2 semaphore(%arg9 : memref<!tpu.dma_semaphore, #tpu.memory_space<semaphore_mem>>) src(%dma_wait3A_88 : memref<80x128xf32, #tpu.memory_space<hbm>>) dst(%dma_wait3A_85 : memref<80x128xf32, #tpu.memory_space<vmem>>)
    %dma_start3A_89 = arith.constant 0 : i32
    %dma_start3A_90 = arith.constant 0 : i32
    %dma_start3A_91 = arith.constant 0 : i32
    %dma_start3A_92 = tpu.memref_slice %arg7[%dma_start3A_89, %dma_start3A_90, %dma_start3A_91] : memref<3x80x128xf32, #tpu.memory_space<vmem>> -> memref<1x40x128xf32, #tpu.memory_space<vmem>>
    %dma_start3A_93 = tpu.memref_squeeze %dma_start3A_92 : memref<1x40x128xf32, #tpu.memory_space<vmem>> -> memref<40x128xf32, #tpu.memory_space<vmem>>
    %dma_start3A_94 = arith.constant 0 : i32
    %dma_start3A_95 = tpu.memref_slice %arg6[%dma_start3A_94] : memref<4000xi32, #tpu.memory_space<vmem>> -> memref<40xi32, #tpu.memory_space<vmem>>
    %dma_start3A_96 = arith.constant 0 : i32
    %dma_start3A_97 = arith.constant 0 : i32
    %dma_start3A_98 = tpu.memref_slice %arg8[%dma_start3A_96, %dma_start3A_97] : memref<10240x128xf32, #tpu.memory_space<vmem_shared>> -> memref<10240x128xf32, #tpu.memory_space<vmem_shared>>
    tpu.enqueue_indirect_dma source(%dma_start3A_93 : memref<40x128xf32, #tpu.memory_space<vmem>>) target(%dma_start3A_98 : memref<10240x128xf32, #tpu.memory_space<vmem_shared>>) offsets(%dma_start3A_95 : memref<40xi32, #tpu.memory_space<vmem>>) semaphore(%arg12 : memref<!tpu.dma_semaphore, #tpu.memory_space<semaphore_mem>>) {add = true}
    %dma_start3A_99 = arith.constant 0 : i32
    %dma_start3A_100 = arith.constant 40 : i32
    %dma_start3A_101 = arith.constant 0 : i32
    %dma_start3A_102 = tpu.memref_slice %arg7[%dma_start3A_99, %dma_start3A_100, %dma_start3A_101] : memref<3x80x128xf32, #tpu.memory_space<vmem>> -> memref<1x40x128xf32, #tpu.memory_space<vmem>>
    %dma_start3A_103 = tpu.memref_squeeze %dma_start3A_102 : memref<1x40x128xf32, #tpu.memory_space<vmem>> -> memref<40x128xf32, #tpu.memory_space<vmem>>
    %dma_start3A_104 = arith.constant 40 : i32
    %dma_start3A_105 = tpu.memref_slice %arg6[%dma_start3A_104] : memref<4000xi32, #tpu.memory_space<vmem>> -> memref<40xi32, #tpu.memory_space<vmem>>
    %dma_start3A_106 = arith.constant 0 : i32
    %dma_start3A_107 = arith.constant 0 : i32
    %dma_start3A_108 = tpu.memref_slice %arg8[%dma_start3A_106, %dma_start3A_107] : memref<10240x128xf32, #tpu.memory_space<vmem_shared>> -> memref<10240x128xf32, #tpu.memory_space<vmem_shared>>
    tpu.enqueue_indirect_dma source(%dma_start3A_103 : memref<40x128xf32, #tpu.memory_space<vmem>>) target(%dma_start3A_108 : memref<10240x128xf32, #tpu.memory_space<vmem_shared>>) offsets(%dma_start3A_105 : memref<40xi32, #tpu.memory_space<vmem>>) semaphore(%arg12 : memref<!tpu.dma_semaphore, #tpu.memory_space<semaphore_mem>>) {add = true}
    %dma_start3A_109 = arith.constant 2 : i32
    %dma_start3A_110 = arith.constant 0 : i32
    %dma_start3A_111 = arith.constant 0 : i32
    %dma_start3A_112 = tpu.memref_slice %arg7[%dma_start3A_109, %dma_start3A_110, %dma_start3A_111] : memref<3x80x128xf32, #tpu.memory_space<vmem>> -> memref<1x40x128xf32, #tpu.memory_space<vmem>>
    %dma_start3A_113 = tpu.memref_squeeze %dma_start3A_112 : memref<1x40x128xf32, #tpu.memory_space<vmem>> -> memref<40x128xf32, #tpu.memory_space<vmem>>
    %dma_start3A_114 = arith.constant 160 : i32
    %dma_start3A_115 = tpu.memref_slice %arg5[%dma_start3A_114] : memref<4000xi32, #tpu.memory_space<vmem>> -> memref<40xi32, #tpu.memory_space<vmem>>
    %dma_start3A_116 = arith.constant 0 : i32
    %dma_start3A_117 = arith.constant 0 : i32
    %dma_start3A_118 = tpu.memref_slice %arg2[%dma_start3A_116, %dma_start3A_117] : memref<10000x128xf32, #tpu.memory_space<hbm>> -> memref<10000x128xf32, #tpu.memory_space<hbm>>
    tpu.enqueue_indirect_dma source(%dma_start3A_118 : memref<10000x128xf32, #tpu.memory_space<hbm>>) target(%dma_start3A_113 : memref<40x128xf32, #tpu.memory_space<vmem>>) offsets(%dma_start3A_115 : memref<40xi32, #tpu.memory_space<vmem>>) semaphore(%arg11 : memref<!tpu.dma_semaphore, #tpu.memory_space<semaphore_mem>>)
    %dma_start3A_119 = arith.constant 2 : i32
    %dma_start3A_120 = arith.constant 40 : i32
    %dma_start3A_121 = arith.constant 0 : i32
    %dma_start3A_122 = tpu.memref_slice %arg7[%dma_start3A_119, %dma_start3A_120, %dma_start3A_121] : memref<3x80x128xf32, #tpu.memory_space<vmem>> -> memref<1x40x128xf32, #tpu.memory_space<vmem>>
    %dma_start3A_123 = tpu.memref_squeeze %dma_start3A_122 : memref<1x40x128xf32, #tpu.memory_space<vmem>> -> memref<40x128xf32, #tpu.memory_space<vmem>>
    %dma_start3A_124 = arith.constant 200 : i32
    %dma_start3A_125 = tpu.memref_slice %arg5[%dma_start3A_124] : memref<4000xi32, #tpu.memory_space<vmem>> -> memref<40xi32, #tpu.memory_space<vmem>>
    %dma_start3A_126 = arith.constant 0 : i32
    %dma_start3A_127 = arith.constant 0 : i32
    %dma_start3A_128 = tpu.memref_slice %arg2[%dma_start3A_126, %dma_start3A_127] : memref<10000x128xf32, #tpu.memory_space<hbm>> -> memref<10000x128xf32, #tpu.memory_space<hbm>>
    tpu.enqueue_indirect_dma source(%dma_start3A_128 : memref<10000x128xf32, #tpu.memory_space<hbm>>) target(%dma_start3A_123 : memref<40x128xf32, #tpu.memory_space<vmem>>) offsets(%dma_start3A_125 : memref<40xi32, #tpu.memory_space<vmem>>) semaphore(%arg11 : memref<!tpu.dma_semaphore, #tpu.memory_space<semaphore_mem>>)
    %dma_wait3A_129 = arith.constant 1 : i32
    %dma_wait3A_130 = arith.constant 0 : i32
    %dma_wait3A_131 = arith.constant 0 : i32
    %dma_wait3A_132 = tpu.memref_slice %arg7[%dma_wait3A_129, %dma_wait3A_130, %dma_wait3A_131] : memref<3x80x128xf32, #tpu.memory_space<vmem>> -> memref<1x80x128xf32, #tpu.memory_space<vmem>>
    %dma_wait3A_133 = tpu.memref_squeeze %dma_wait3A_132 : memref<1x80x128xf32, #tpu.memory_space<vmem>> -> memref<80x128xf32, #tpu.memory_space<vmem>>
    %dma_wait3A_134 = arith.constant 0 : i32
    %dma_wait3A_135 = arith.constant 0 : i32
    %dma_wait3A_136 = tpu.memref_slice %arg2[%dma_wait3A_134, %dma_wait3A_135] : memref<10000x128xf32, #tpu.memory_space<hbm>> -> memref<80x128xf32, #tpu.memory_space<hbm>>
    %dma_wait3A_137 = arith.constant 0 : i32
    %dma_wait3A_138 = arith.constant 0 : i32
    %dma_wait3A_139 = tpu.memref_slice %arg7[%dma_wait3A_129, %dma_wait3A_137, %dma_wait3A_138] : memref<3x80x128xf32, #tpu.memory_space<vmem>> -> memref<1x80x128xf32, #tpu.memory_space<vmem>>
    %dma_wait3A_140 = tpu.memref_squeeze %dma_wait3A_139 : memref<1x80x128xf32, #tpu.memory_space<vmem>> -> memref<80x128xf32, #tpu.memory_space<vmem>>
    %dma_wait3A_141 = arith.constant 0 : i32
    %dma_wait3A_142 = arith.constant 0 : i32
    %dma_wait3A_143 = tpu.memref_slice %arg2[%dma_wait3A_141, %dma_wait3A_142] : memref<10000x128xf32, #tpu.memory_space<hbm>> -> memref<80x128xf32, #tpu.memory_space<hbm>>
    tpu.wait_dma2 semaphore(%arg10 : memref<!tpu.dma_semaphore, #tpu.memory_space<semaphore_mem>>) src(%dma_wait3A_143 : memref<80x128xf32, #tpu.memory_space<hbm>>) dst(%dma_wait3A_140 : memref<80x128xf32, #tpu.memory_space<vmem>>)
    %dma_start3A_144 = arith.constant 1 : i32
    %dma_start3A_145 = arith.constant 0 : i32
    %dma_start3A_146 = arith.constant 0 : i32
    %dma_start3A_147 = tpu.memref_slice %arg7[%dma_start3A_144, %dma_start3A_145, %dma_start3A_146] : memref<3x80x128xf32, #tpu.memory_space<vmem>> -> memref<1x40x128xf32, #tpu.memory_space<vmem>>
    %dma_start3A_148 = tpu.memref_squeeze %dma_start3A_147 : memref<1x40x128xf32, #tpu.memory_space<vmem>> -> memref<40x128xf32, #tpu.memory_space<vmem>>
    %dma_start3A_149 = arith.constant 80 : i32
    %dma_start3A_150 = tpu.memref_slice %arg6[%dma_start3A_149] : memref<4000xi32, #tpu.memory_space<vmem>> -> memref<40xi32, #tpu.memory_space<vmem>>
    %dma_start3A_151 = arith.constant 0 : i32
    %dma_start3A_152 = arith.constant 0 : i32
    %dma_start3A_153 = tpu.memref_slice %arg8[%dma_start3A_151, %dma_start3A_152] : memref<10240x128xf32, #tpu.memory_space<vmem_shared>> -> memref<10240x128xf32, #tpu.memory_space<vmem_shared>>
    tpu.enqueue_indirect_dma source(%dma_start3A_148 : memref<40x128xf32, #tpu.memory_space<vmem>>) target(%dma_start3A_153 : memref<10240x128xf32, #tpu.memory_space<vmem_shared>>) offsets(%dma_start3A_150 : memref<40xi32, #tpu.memory_space<vmem>>) semaphore(%arg13 : memref<!tpu.dma_semaphore, #tpu.memory_space<semaphore_mem>>) {add = true}
    %dma_start3A_154 = arith.constant 1 : i32
    %dma_start3A_155 = arith.constant 40 : i32
    %dma_start3A_156 = arith.constant 0 : i32
    %dma_start3A_157 = tpu.memref_slice %arg7[%dma_start3A_154, %dma_start3A_155, %dma_start3A_156] : memref<3x80x128xf32, #tpu.memory_space<vmem>> -> memref<1x40x128xf32, #tpu.memory_space<vmem>>
    %dma_start3A_158 = tpu.memref_squeeze %dma_start3A_157 : memref<1x40x128xf32, #tpu.memory_space<vmem>> -> memref<40x128xf32, #tpu.memory_space<vmem>>
    %dma_start3A_159 = arith.constant 120 : i32
    %dma_start3A_160 = tpu.memref_slice %arg6[%dma_start3A_159] : memref<4000xi32, #tpu.memory_space<vmem>> -> memref<40xi32, #tpu.memory_space<vmem>>
    %dma_start3A_161 = arith.constant 0 : i32
    %dma_start3A_162 = arith.constant 0 : i32
    %dma_start3A_163 = tpu.memref_slice %arg8[%dma_start3A_161, %dma_start3A_162] : memref<10240x128xf32, #tpu.memory_space<vmem_shared>> -> memref<10240x128xf32, #tpu.memory_space<vmem_shared>>
    tpu.enqueue_indirect_dma source(%dma_start3A_158 : memref<40x128xf32, #tpu.memory_space<vmem>>) target(%dma_start3A_163 : memref<10240x128xf32, #tpu.memory_space<vmem_shared>>) offsets(%dma_start3A_160 : memref<40xi32, #tpu.memory_space<vmem>>) semaphore(%arg13 : memref<!tpu.dma_semaphore, #tpu.memory_space<semaphore_mem>>) {add = true}
    %scan3A_164 = arith.constant 0 : i32
    %scan3A_165 = arith.constant 2 : i32
    %scan3A_166 = arith.constant 123 : i32
    %scan3A_167 = arith.addi %scan3A_165, %scan3A_166 : i32
    %scan3A_168 = arith.constant 1 : i32
    scf.for %scan3A_216 = %scan3A_165 to %scan3A_167 step %scan3A_168  : i32 {
      %jit3A = arith.constant 25 : i32
      %div3A = arith.divsi %scan3A_216, %jit3A : i32
      %sign3A = arith.constant 0 : i32
      %sign3A_217 = arith.cmpi sgt, %scan3A_216, %sign3A : i32
      %sign3A_218 = arith.extui %sign3A_217 : i1 to i32
      %sign3A_219 = arith.constant 0 : i32
      %sign3A_220 = arith.cmpi slt, %scan3A_216, %sign3A_219 : i32
      %sign3A_221 = arith.extui %sign3A_220 : i1 to i32
      %sign3A_222 = arith.subi %sign3A_218, %sign3A_221 : i32
      %sign3A_223 = arith.constant 0 : i32
      %sign3A_224 = arith.cmpi sgt, %jit3A, %sign3A_223 : i32
      %sign3A_225 = arith.extui %sign3A_224 : i1 to i32
      %sign3A_226 = arith.constant 0 : i32
      %sign3A_227 = arith.cmpi slt, %jit3A, %sign3A_226 : i32
      %sign3A_228 = arith.extui %sign3A_227 : i1 to i32
      %sign3A_229 = arith.subi %sign3A_225, %sign3A_228 : i32
      %ne3A = arith.cmpi ne, %sign3A_222, %sign3A_229 : i32
      %rem3A = arith.remsi %scan3A_216, %jit3A : i32
      %ne3A_230 = arith.constant 0 : i32
      %ne3A_231 = arith.cmpi ne, %rem3A, %ne3A_230 : i32
      %and3A = arith.andi %ne3A, %ne3A_231 : i1
      %sub3A = arith.constant 1 : i32
      %sub3A_232 = arith.subi %div3A, %sub3A : i32
      %select_n3A = arith.select %and3A, %sub3A_232, %div3A : i32
      %rem3A_233 = arith.constant 25 : i32
      %rem3A_234 = arith.remsi %scan3A_216, %rem3A_233 : i32
      %rem3A_235 = arith.constant 2 : i32
      %rem3A_236 = arith.remsi %select_n3A, %rem3A_235 : i32
      %add3A_237 = arith.constant 1 : i32
      %add3A_238 = arith.addi %scan3A_216, %add3A_237 : i32
      %min3A = arith.constant 124 : i32
      %min3A_239 = arith.minsi %add3A_238, %min3A : i32
      %jit3A_240 = arith.constant 25 : i32
      %div3A_241 = arith.divsi %min3A_239, %jit3A_240 : i32
      %sign3A_242 = arith.constant 0 : i32
      %sign3A_243 = arith.cmpi sgt, %min3A_239, %sign3A_242 : i32
      %sign3A_244 = arith.extui %sign3A_243 : i1 to i32
      %sign3A_245 = arith.constant 0 : i32
      %sign3A_246 = arith.cmpi slt, %min3A_239, %sign3A_245 : i32
      %sign3A_247 = arith.extui %sign3A_246 : i1 to i32
      %sign3A_248 = arith.subi %sign3A_244, %sign3A_247 : i32
      %sign3A_249 = arith.constant 0 : i32
      %sign3A_250 = arith.cmpi sgt, %jit3A_240, %sign3A_249 : i32
      %sign3A_251 = arith.extui %sign3A_250 : i1 to i32
      %sign3A_252 = arith.constant 0 : i32
      %sign3A_253 = arith.cmpi slt, %jit3A_240, %sign3A_252 : i32
      %sign3A_254 = arith.extui %sign3A_253 : i1 to i32
      %sign3A_255 = arith.subi %sign3A_251, %sign3A_254 : i32
      %ne3A_256 = arith.cmpi ne, %sign3A_248, %sign3A_255 : i32
      %rem3A_257 = arith.remsi %min3A_239, %jit3A_240 : i32
      %ne3A_258 = arith.constant 0 : i32
      %ne3A_259 = arith.cmpi ne, %rem3A_257, %ne3A_258 : i32
      %and3A_260 = arith.andi %ne3A_256, %ne3A_259 : i1
      %sub3A_261 = arith.constant 1 : i32
      %sub3A_262 = arith.subi %div3A_241, %sub3A_261 : i32
      %select_n3A_263 = arith.select %and3A_260, %sub3A_262, %div3A_241 : i32
      %rem3A_264 = arith.constant 2 : i32
      %rem3A_265 = arith.remsi %select_n3A_263, %rem3A_264 : i32
      %rem3A_266 = arith.constant 25 : i32
      %rem3A_267 = arith.remsi %min3A_239, %rem3A_266 : i32
      %rem3A_268 = arith.constant 3 : i32
      %rem3A_269 = arith.remsi %scan3A_216, %rem3A_268 : i32
      %eq3A = arith.constant 0 : i32
      %eq3A_270 = arith.cmpi eq, %rem3A_269, %eq3A : i32
      %convert_element_type3A = arith.extui %eq3A_270 : i1 to i32
      %cond3A = arith.constant 0 : i32
      %cond3A_271 = arith.cmpi ne, %convert_element_type3A, %cond3A : i32
      scf.if %cond3A_271 {
        %eq3A_286 = arith.constant 24 : i32
        %eq3A_287 = arith.cmpi eq, %rem3A_234, %eq3A_286 : i32
        %convert_element_type3A_288 = arith.extui %eq3A_287 : i1 to i32
        %cond3A_289 = arith.constant 0 : i32
        %cond3A_290 = arith.cmpi ne, %convert_element_type3A_288, %cond3A_289 : i32
        scf.if %cond3A_290 {
          %dma_wait3A_380 = arith.constant 0 : i32
          %dma_wait3A_381 = tpu.memref_slice %arg5[%dma_wait3A_380] : memref<4000xi32, #tpu.memory_space<vmem>> -> memref<2000xi32, #tpu.memory_space<vmem>>
          %dma_wait3A_382 = arith.constant 0 : i32
          %dma_wait3A_383 = tpu.memref_slice %arg3[%dma_wait3A_382] : memref<640000xi32, #tpu.memory_space<hbm>> -> memref<2000xi32, #tpu.memory_space<hbm>>
          %dma_wait3A_384 = arith.constant 0 : i32
          %dma_wait3A_385 = tpu.memref_slice %arg5[%dma_wait3A_384] : memref<4000xi32, #tpu.memory_space<vmem>> -> memref<2000xi32, #tpu.memory_space<vmem>>
          %dma_wait3A_386 = arith.constant 0 : i32
          %dma_wait3A_387 = tpu.memref_slice %arg3[%dma_wait3A_386] : memref<640000xi32, #tpu.memory_space<hbm>> -> memref<2000xi32, #tpu.memory_space<hbm>>
          tpu.wait_dma2 semaphore(%arg15 : memref<!tpu.dma_semaphore, #tpu.memory_space<semaphore_mem>>) src(%dma_wait3A_387 : memref<2000xi32, #tpu.memory_space<hbm>>) dst(%dma_wait3A_385 : memref<2000xi32, #tpu.memory_space<vmem>>)
          %dma_wait3A_388 = arith.constant 0 : i32
          %dma_wait3A_389 = tpu.memref_slice %arg6[%dma_wait3A_388] : memref<4000xi32, #tpu.memory_space<vmem>> -> memref<2000xi32, #tpu.memory_space<vmem>>
          %dma_wait3A_390 = arith.constant 320000 : i32
          %dma_wait3A_391 = tpu.memref_slice %arg3[%dma_wait3A_390] : memref<640000xi32, #tpu.memory_space<hbm>> -> memref<2000xi32, #tpu.memory_space<hbm>>
          %dma_wait3A_392 = arith.constant 0 : i32
          %dma_wait3A_393 = tpu.memref_slice %arg6[%dma_wait3A_392] : memref<4000xi32, #tpu.memory_space<vmem>> -> memref<2000xi32, #tpu.memory_space<vmem>>
          %dma_wait3A_394 = arith.constant 320000 : i32
          %dma_wait3A_395 = tpu.memref_slice %arg3[%dma_wait3A_394] : memref<640000xi32, #tpu.memory_space<hbm>> -> memref<2000xi32, #tpu.memory_space<hbm>>
          tpu.wait_dma2 semaphore(%arg15 : memref<!tpu.dma_semaphore, #tpu.memory_space<semaphore_mem>>) src(%dma_wait3A_395 : memref<2000xi32, #tpu.memory_space<hbm>>) dst(%dma_wait3A_393 : memref<2000xi32, #tpu.memory_space<vmem>>)
        } else {
        }
        %dma_wait3A_291 = arith.constant 1 : i32
        %dma_wait3A_292 = arith.constant 0 : i32
        %dma_wait3A_293 = arith.constant 0 : i32
        %dma_wait3A_294 = tpu.memref_slice %arg7[%dma_wait3A_291, %dma_wait3A_292, %dma_wait3A_293] : memref<3x80x128xf32, #tpu.memory_space<vmem>> -> memref<1x80x128xf32, #tpu.memory_space<vmem>>
        %dma_wait3A_295 = tpu.memref_squeeze %dma_wait3A_294 : memref<1x80x128xf32, #tpu.memory_space<vmem>> -> memref<80x128xf32, #tpu.memory_space<vmem>>
        %dma_wait3A_296 = arith.constant 0 : i32
        %dma_wait3A_297 = arith.constant 0 : i32
        %dma_wait3A_298 = tpu.memref_slice %arg2[%dma_wait3A_296, %dma_wait3A_297] : memref<10000x128xf32, #tpu.memory_space<hbm>> -> memref<80x128xf32, #tpu.memory_space<hbm>>
        %dma_wait3A_299 = arith.constant 0 : i32
        %dma_wait3A_300 = arith.constant 0 : i32
        %dma_wait3A_301 = tpu.memref_slice %arg7[%dma_wait3A_291, %dma_wait3A_299, %dma_wait3A_300] : memref<3x80x128xf32, #tpu.memory_space<vmem>> -> memref<1x80x128xf32, #tpu.memory_space<vmem>>
        %dma_wait3A_302 = tpu.memref_squeeze %dma_wait3A_301 : memref<1x80x128xf32, #tpu.memory_space<vmem>> -> memref<80x128xf32, #tpu.memory_space<vmem>>
        %dma_wait3A_303 = arith.constant 0 : i32
        %dma_wait3A_304 = arith.constant 0 : i32
        %dma_wait3A_305 = tpu.memref_slice %arg2[%dma_wait3A_303, %dma_wait3A_304] : memref<10000x128xf32, #tpu.memory_space<hbm>> -> memref<80x128xf32, #tpu.memory_space<hbm>>
        tpu.wait_dma2 semaphore(%arg13 : memref<!tpu.dma_semaphore, #tpu.memory_space<semaphore_mem>>) src(%dma_wait3A_305 : memref<80x128xf32, #tpu.memory_space<hbm>>) dst(%dma_wait3A_302 : memref<80x128xf32, #tpu.memory_space<vmem>>)
        %mul3A_306 = arith.constant 25 : i32
        %mul3A_307 = arith.muli %rem3A_265, %mul3A_306 : i32
        %mul3A_308 = arith.constant 80 : i32
        %mul3A_309 = arith.muli %mul3A_307, %mul3A_308 : i32
        %mul3A_310 = arith.constant 80 : i32
        %mul3A_311 = arith.muli %rem3A_267, %mul3A_310 : i32
        %add3A_312 = arith.addi %mul3A_309, %mul3A_311 : i32
        %dma_start3A_313 = arith.constant 1 : i32
        %dma_start3A_314 = arith.constant 0 : i32
        %dma_start3A_315 = arith.constant 0 : i32
        %dma_start3A_316 = tpu.memref_slice %arg7[%dma_start3A_313, %dma_start3A_314, %dma_start3A_315] : memref<3x80x128xf32, #tpu.memory_space<vmem>> -> memref<1x40x128xf32, #tpu.memory_space<vmem>>
        %dma_start3A_317 = tpu.memref_squeeze %dma_start3A_316 : memref<1x40x128xf32, #tpu.memory_space<vmem>> -> memref<40x128xf32, #tpu.memory_space<vmem>>
        %dma_start3A_318 = tpu.memref_slice %arg5[%add3A_312] : memref<4000xi32, #tpu.memory_space<vmem>> -> memref<40xi32, #tpu.memory_space<vmem>>
        %dma_start3A_319 = arith.constant 0 : i32
        %dma_start3A_320 = arith.constant 0 : i32
        %dma_start3A_321 = tpu.memref_slice %arg2[%dma_start3A_319, %dma_start3A_320] : memref<10000x128xf32, #tpu.memory_space<hbm>> -> memref<10000x128xf32, #tpu.memory_space<hbm>>
        tpu.enqueue_indirect_dma source(%dma_start3A_321 : memref<10000x128xf32, #tpu.memory_space<hbm>>) target(%dma_start3A_317 : memref<40x128xf32, #tpu.memory_space<vmem>>) offsets(%dma_start3A_318 : memref<40xi32, #tpu.memory_space<vmem>>) semaphore(%arg10 : memref<!tpu.dma_semaphore, #tpu.memory_space<semaphore_mem>>)
        %add3A_322 = arith.constant 40 : i32
        %add3A_323 = arith.addi %add3A_312, %add3A_322 : i32
        %dma_start3A_324 = arith.constant 1 : i32
        %dma_start3A_325 = arith.constant 40 : i32
        %dma_start3A_326 = arith.constant 0 : i32
        %dma_start3A_327 = tpu.memref_slice %arg7[%dma_start3A_324, %dma_start3A_325, %dma_start3A_326] : memref<3x80x128xf32, #tpu.memory_space<vmem>> -> memref<1x40x128xf32, #tpu.memory_space<vmem>>
        %dma_start3A_328 = tpu.memref_squeeze %dma_start3A_327 : memref<1x40x128xf32, #tpu.memory_space<vmem>> -> memref<40x128xf32, #tpu.memory_space<vmem>>
        %dma_start3A_329 = tpu.memref_slice %arg5[%add3A_323] : memref<4000xi32, #tpu.memory_space<vmem>> -> memref<40xi32, #tpu.memory_space<vmem>>
        %dma_start3A_330 = arith.constant 0 : i32
        %dma_start3A_331 = arith.constant 0 : i32
        %dma_start3A_332 = tpu.memref_slice %arg2[%dma_start3A_330, %dma_start3A_331] : memref<10000x128xf32, #tpu.memory_space<hbm>> -> memref<10000x128xf32, #tpu.memory_space<hbm>>
        tpu.enqueue_indirect_dma source(%dma_start3A_332 : memref<10000x128xf32, #tpu.memory_space<hbm>>) target(%dma_start3A_328 : memref<40x128xf32, #tpu.memory_space<vmem>>) offsets(%dma_start3A_329 : memref<40xi32, #tpu.memory_space<vmem>>) semaphore(%arg10 : memref<!tpu.dma_semaphore, #tpu.memory_space<semaphore_mem>>)
        %dma_wait3A_333 = arith.constant 0 : i32
        %dma_wait3A_334 = arith.constant 0 : i32
        %dma_wait3A_335 = arith.constant 0 : i32
        %dma_wait3A_336 = tpu.memref_slice %arg7[%dma_wait3A_333, %dma_wait3A_334, %dma_wait3A_335] : memref<3x80x128xf32, #tpu.memory_space<vmem>> -> memref<1x80x128xf32, #tpu.memory_space<vmem>>
        %dma_wait3A_337 = tpu.memref_squeeze %dma_wait3A_336 : memref<1x80x128xf32, #tpu.memory_space<vmem>> -> memref<80x128xf32, #tpu.memory_space<vmem>>
        %dma_wait3A_338 = arith.constant 0 : i32
        %dma_wait3A_339 = arith.constant 0 : i32
        %dma_wait3A_340 = tpu.memref_slice %arg2[%dma_wait3A_338, %dma_wait3A_339] : memref<10000x128xf32, #tpu.memory_space<hbm>> -> memref<80x128xf32, #tpu.memory_space<hbm>>
        %dma_wait3A_341 = arith.constant 0 : i32
        %dma_wait3A_342 = arith.constant 0 : i32
        %dma_wait3A_343 = tpu.memref_slice %arg7[%dma_wait3A_333, %dma_wait3A_341, %dma_wait3A_342] : memref<3x80x128xf32, #tpu.memory_space<vmem>> -> memref<1x80x128xf32, #tpu.memory_space<vmem>>
        %dma_wait3A_344 = tpu.memref_squeeze %dma_wait3A_343 : memref<1x80x128xf32, #tpu.memory_space<vmem>> -> memref<80x128xf32, #tpu.memory_space<vmem>>
        %dma_wait3A_345 = arith.constant 0 : i32
        %dma_wait3A_346 = arith.constant 0 : i32
        %dma_wait3A_347 = tpu.memref_slice %arg2[%dma_wait3A_345, %dma_wait3A_346] : memref<10000x128xf32, #tpu.memory_space<hbm>> -> memref<80x128xf32, #tpu.memory_space<hbm>>
        tpu.wait_dma2 semaphore(%arg9 : memref<!tpu.dma_semaphore, #tpu.memory_space<semaphore_mem>>) src(%dma_wait3A_347 : memref<80x128xf32, #tpu.memory_space<hbm>>) dst(%dma_wait3A_344 : memref<80x128xf32, #tpu.memory_space<vmem>>)
        %mul3A_348 = arith.constant 25 : i32
        %mul3A_349 = arith.muli %rem3A_236, %mul3A_348 : i32
        %mul3A_350 = arith.constant 80 : i32
        %mul3A_351 = arith.muli %mul3A_349, %mul3A_350 : i32
        %mul3A_352 = arith.constant 80 : i32
        %mul3A_353 = arith.muli %rem3A_234, %mul3A_352 : i32
        %add3A_354 = arith.addi %mul3A_351, %mul3A_353 : i32
        %dma_start3A_355 = arith.constant 0 : i32
        %dma_start3A_356 = arith.constant 0 : i32
        %dma_start3A_357 = arith.constant 0 : i32
        %dma_start3A_358 = tpu.memref_slice %arg7[%dma_start3A_355, %dma_start3A_356, %dma_start3A_357] : memref<3x80x128xf32, #tpu.memory_space<vmem>> -> memref<1x40x128xf32, #tpu.memory_space<vmem>>
        %dma_start3A_359 = tpu.memref_squeeze %dma_start3A_358 : memref<1x40x128xf32, #tpu.memory_space<vmem>> -> memref<40x128xf32, #tpu.memory_space<vmem>>
        %dma_start3A_360 = tpu.memref_slice %arg6[%add3A_354] : memref<4000xi32, #tpu.memory_space<vmem>> -> memref<40xi32, #tpu.memory_space<vmem>>
        %dma_start3A_361 = arith.constant 0 : i32
        %dma_start3A_362 = arith.constant 0 : i32
        %dma_start3A_363 = tpu.memref_slice %arg8[%dma_start3A_361, %dma_start3A_362] : memref<10240x128xf32, #tpu.memory_space<vmem_shared>> -> memref<10240x128xf32, #tpu.memory_space<vmem_shared>>
        tpu.enqueue_indirect_dma source(%dma_start3A_359 : memref<40x128xf32, #tpu.memory_space<vmem>>) target(%dma_start3A_363 : memref<10240x128xf32, #tpu.memory_space<vmem_shared>>) offsets(%dma_start3A_360 : memref<40xi32, #tpu.memory_space<vmem>>) semaphore(%arg12 : memref<!tpu.dma_semaphore, #tpu.memory_space<semaphore_mem>>) {add = true}
        %add3A_364 = arith.constant 40 : i32
        %add3A_365 = arith.addi %add3A_354, %add3A_364 : i32
        %dma_start3A_366 = arith.constant 0 : i32
        %dma_start3A_367 = arith.constant 40 : i32
        %dma_start3A_368 = arith.constant 0 : i32
        %dma_start3A_369 = tpu.memref_slice %arg7[%dma_start3A_366, %dma_start3A_367, %dma_start3A_368] : memref<3x80x128xf32, #tpu.memory_space<vmem>> -> memref<1x40x128xf32, #tpu.memory_space<vmem>>
        %dma_start3A_370 = tpu.memref_squeeze %dma_start3A_369 : memref<1x40x128xf32, #tpu.memory_space<vmem>> -> memref<40x128xf32, #tpu.memory_space<vmem>>
        %dma_start3A_371 = tpu.memref_slice %arg6[%add3A_365] : memref<4000xi32, #tpu.memory_space<vmem>> -> memref<40xi32, #tpu.memory_space<vmem>>
        %dma_start3A_372 = arith.constant 0 : i32
        %dma_start3A_373 = arith.constant 0 : i32
        %dma_start3A_374 = tpu.memref_slice %arg8[%dma_start3A_372, %dma_start3A_373] : memref<10240x128xf32, #tpu.memory_space<vmem_shared>> -> memref<10240x128xf32, #tpu.memory_space<vmem_shared>>
        tpu.enqueue_indirect_dma source(%dma_start3A_370 : memref<40x128xf32, #tpu.memory_space<vmem>>) target(%dma_start3A_374 : memref<10240x128xf32, #tpu.memory_space<vmem_shared>>) offsets(%dma_start3A_371 : memref<40xi32, #tpu.memory_space<vmem>>) semaphore(%arg12 : memref<!tpu.dma_semaphore, #tpu.memory_space<semaphore_mem>>) {add = true}
        %eq3A_375 = arith.constant 2 : i32
        %eq3A_376 = arith.cmpi eq, %rem3A_234, %eq3A_375 : i32
        %convert_element_type3A_377 = arith.extui %eq3A_376 : i1 to i32
        %cond3A_378 = arith.constant 0 : i32
        %cond3A_379 = arith.cmpi ne, %convert_element_type3A_377, %cond3A_378 : i32
        scf.if %cond3A_379 {
          %add3A_380 = arith.constant 1 : i32
          %add3A_381 = arith.addi %select_n3A, %add3A_380 : i32
          %min3A_382 = arith.constant 4 : i32
          %min3A_383 = arith.minsi %add3A_381, %min3A_382 : i32
          %add3A_384 = arith.constant 1 : i32
          %add3A_385 = arith.addi %select_n3A, %add3A_384 : i32
          %rem3A_386 = arith.constant 2 : i32
          %rem3A_387 = arith.remsi %add3A_385, %rem3A_386 : i32
          %mul3A_388 = arith.constant 25 : i32
          %mul3A_389 = arith.muli %min3A_383, %mul3A_388 : i32
          %mul3A_390 = arith.constant 80 : i32
          %mul3A_391 = arith.muli %mul3A_389, %mul3A_390 : i32
          %add3A_392 = arith.addi %mul3A_33, %mul3A_391 : i32
          %mul3A_393 = arith.constant 25 : i32
          %mul3A_394 = arith.muli %rem3A_387, %mul3A_393 : i32
          %mul3A_395 = arith.constant 80 : i32
          %mul3A_396 = arith.muli %mul3A_394, %mul3A_395 : i32
          %dma_start3A_397 = tpu.memref_slice %arg5[%mul3A_396] : memref<4000xi32, #tpu.memory_space<vmem>> -> memref<2000xi32, #tpu.memory_space<vmem>>
          %dma_start3A_398 = tpu.memref_slice %arg3[%add3A_392] : memref<640000xi32, #tpu.memory_space<hbm>> -> memref<2000xi32, #tpu.memory_space<hbm>>
          %dma_start3A_399 = tpu.memref_slice %arg5[%mul3A_396] : memref<4000xi32, #tpu.memory_space<vmem>> -> memref<2000xi32, #tpu.memory_space<vmem>>
          %dma_start3A_400 = tpu.memref_slice %arg3[%add3A_392] : memref<640000xi32, #tpu.memory_space<hbm>> -> memref<2000xi32, #tpu.memory_space<hbm>>
          tpu.enqueue_dma source(%dma_start3A_400 : memref<2000xi32, #tpu.memory_space<hbm>>) target(%dma_start3A_399 : memref<2000xi32, #tpu.memory_space<vmem>>) target_semaphore(%arg15 : memref<!tpu.dma_semaphore, #tpu.memory_space<semaphore_mem>>)
          %add3A_401 = arith.constant 320000 : i32
          %add3A_402 = arith.addi %add3A_401, %add3A_392 : i32
          %dma_start3A_403 = tpu.memref_slice %arg6[%mul3A_396] : memref<4000xi32, #tpu.memory_space<vmem>> -> memref<2000xi32, #tpu.memory_space<vmem>>
          %dma_start3A_404 = tpu.memref_slice %arg3[%add3A_402] : memref<640000xi32, #tpu.memory_space<hbm>> -> memref<2000xi32, #tpu.memory_space<hbm>>
          %dma_start3A_405 = tpu.memref_slice %arg6[%mul3A_396] : memref<4000xi32, #tpu.memory_space<vmem>> -> memref<2000xi32, #tpu.memory_space<vmem>>
          %dma_start3A_406 = tpu.memref_slice %arg3[%add3A_402] : memref<640000xi32, #tpu.memory_space<hbm>> -> memref<2000xi32, #tpu.memory_space<hbm>>
          tpu.enqueue_dma source(%dma_start3A_406 : memref<2000xi32, #tpu.memory_space<hbm>>) target(%dma_start3A_405 : memref<2000xi32, #tpu.memory_space<vmem>>) target_semaphore(%arg15 : memref<!tpu.dma_semaphore, #tpu.memory_space<semaphore_mem>>)
        } else {
        }
      } else {
      }
      %rem3A_272 = arith.constant 3 : i32
      %rem3A_273 = arith.remsi %scan3A_216, %rem3A_272 : i32
      %eq3A_274 = arith.constant 1 : i32
      %eq3A_275 = arith.cmpi eq, %rem3A_273, %eq3A_274 : i32
      %convert_element_type3A_276 = arith.extui %eq3A_275 : i1 to i32
      %cond3A_277 = arith.constant 0 : i32
      %cond3A_278 = arith.cmpi ne, %convert_element_type3A_276, %cond3A_277 : i32
      scf.if %cond3A_278 {
        %eq3A_286 = arith.constant 24 : i32
        %eq3A_287 = arith.cmpi eq, %rem3A_234, %eq3A_286 : i32
        %convert_element_type3A_288 = arith.extui %eq3A_287 : i1 to i32
        %cond3A_289 = arith.constant 0 : i32
        %cond3A_290 = arith.cmpi ne, %convert_element_type3A_288, %cond3A_289 : i32
        scf.if %cond3A_290 {
          %dma_wait3A_380 = arith.constant 0 : i32
          %dma_wait3A_381 = tpu.memref_slice %arg5[%dma_wait3A_380] : memref<4000xi32, #tpu.memory_space<vmem>> -> memref<2000xi32, #tpu.memory_space<vmem>>
          %dma_wait3A_382 = arith.constant 0 : i32
          %dma_wait3A_383 = tpu.memref_slice %arg3[%dma_wait3A_382] : memref<640000xi32, #tpu.memory_space<hbm>> -> memref<2000xi32, #tpu.memory_space<hbm>>
          %dma_wait3A_384 = arith.constant 0 : i32
          %dma_wait3A_385 = tpu.memref_slice %arg5[%dma_wait3A_384] : memref<4000xi32, #tpu.memory_space<vmem>> -> memref<2000xi32, #tpu.memory_space<vmem>>
          %dma_wait3A_386 = arith.constant 0 : i32
          %dma_wait3A_387 = tpu.memref_slice %arg3[%dma_wait3A_386] : memref<640000xi32, #tpu.memory_space<hbm>> -> memref<2000xi32, #tpu.memory_space<hbm>>
          tpu.wait_dma2 semaphore(%arg15 : memref<!tpu.dma_semaphore, #tpu.memory_space<semaphore_mem>>) src(%dma_wait3A_387 : memref<2000xi32, #tpu.memory_space<hbm>>) dst(%dma_wait3A_385 : memref<2000xi32, #tpu.memory_space<vmem>>)
          %dma_wait3A_388 = arith.constant 0 : i32
          %dma_wait3A_389 = tpu.memref_slice %arg6[%dma_wait3A_388] : memref<4000xi32, #tpu.memory_space<vmem>> -> memref<2000xi32, #tpu.memory_space<vmem>>
          %dma_wait3A_390 = arith.constant 320000 : i32
          %dma_wait3A_391 = tpu.memref_slice %arg3[%dma_wait3A_390] : memref<640000xi32, #tpu.memory_space<hbm>> -> memref<2000xi32, #tpu.memory_space<hbm>>
          %dma_wait3A_392 = arith.constant 0 : i32
          %dma_wait3A_393 = tpu.memref_slice %arg6[%dma_wait3A_392] : memref<4000xi32, #tpu.memory_space<vmem>> -> memref<2000xi32, #tpu.memory_space<vmem>>
          %dma_wait3A_394 = arith.constant 320000 : i32
          %dma_wait3A_395 = tpu.memref_slice %arg3[%dma_wait3A_394] : memref<640000xi32, #tpu.memory_space<hbm>> -> memref<2000xi32, #tpu.memory_space<hbm>>
          tpu.wait_dma2 semaphore(%arg15 : memref<!tpu.dma_semaphore, #tpu.memory_space<semaphore_mem>>) src(%dma_wait3A_395 : memref<2000xi32, #tpu.memory_space<hbm>>) dst(%dma_wait3A_393 : memref<2000xi32, #tpu.memory_space<vmem>>)
        } else {
        }
        %dma_wait3A_291 = arith.constant 2 : i32
        %dma_wait3A_292 = arith.constant 0 : i32
        %dma_wait3A_293 = arith.constant 0 : i32
        %dma_wait3A_294 = tpu.memref_slice %arg7[%dma_wait3A_291, %dma_wait3A_292, %dma_wait3A_293] : memref<3x80x128xf32, #tpu.memory_space<vmem>> -> memref<1x80x128xf32, #tpu.memory_space<vmem>>
        %dma_wait3A_295 = tpu.memref_squeeze %dma_wait3A_294 : memref<1x80x128xf32, #tpu.memory_space<vmem>> -> memref<80x128xf32, #tpu.memory_space<vmem>>
        %dma_wait3A_296 = arith.constant 0 : i32
        %dma_wait3A_297 = arith.constant 0 : i32
        %dma_wait3A_298 = tpu.memref_slice %arg2[%dma_wait3A_296, %dma_wait3A_297] : memref<10000x128xf32, #tpu.memory_space<hbm>> -> memref<80x128xf32, #tpu.memory_space<hbm>>
        %dma_wait3A_299 = arith.constant 0 : i32
        %dma_wait3A_300 = arith.constant 0 : i32
        %dma_wait3A_301 = tpu.memref_slice %arg7[%dma_wait3A_291, %dma_wait3A_299, %dma_wait3A_300] : memref<3x80x128xf32, #tpu.memory_space<vmem>> -> memref<1x80x128xf32, #tpu.memory_space<vmem>>
        %dma_wait3A_302 = tpu.memref_squeeze %dma_wait3A_301 : memref<1x80x128xf32, #tpu.memory_space<vmem>> -> memref<80x128xf32, #tpu.memory_space<vmem>>
        %dma_wait3A_303 = arith.constant 0 : i32
        %dma_wait3A_304 = arith.constant 0 : i32
        %dma_wait3A_305 = tpu.memref_slice %arg2[%dma_wait3A_303, %dma_wait3A_304] : memref<10000x128xf32, #tpu.memory_space<hbm>> -> memref<80x128xf32, #tpu.memory_space<hbm>>
        tpu.wait_dma2 semaphore(%arg14 : memref<!tpu.dma_semaphore, #tpu.memory_space<semaphore_mem>>) src(%dma_wait3A_305 : memref<80x128xf32, #tpu.memory_space<hbm>>) dst(%dma_wait3A_302 : memref<80x128xf32, #tpu.memory_space<vmem>>)
        %mul3A_306 = arith.constant 25 : i32
        %mul3A_307 = arith.muli %rem3A_265, %mul3A_306 : i32
        %mul3A_308 = arith.constant 80 : i32
        %mul3A_309 = arith.muli %mul3A_307, %mul3A_308 : i32
        %mul3A_310 = arith.constant 80 : i32
        %mul3A_311 = arith.muli %rem3A_267, %mul3A_310 : i32
        %add3A_312 = arith.addi %mul3A_309, %mul3A_311 : i32
        %dma_start3A_313 = arith.constant 2 : i32
        %dma_start3A_314 = arith.constant 0 : i32
        %dma_start3A_315 = arith.constant 0 : i32
        %dma_start3A_316 = tpu.memref_slice %arg7[%dma_start3A_313, %dma_start3A_314, %dma_start3A_315] : memref<3x80x128xf32, #tpu.memory_space<vmem>> -> memref<1x40x128xf32, #tpu.memory_space<vmem>>
        %dma_start3A_317 = tpu.memref_squeeze %dma_start3A_316 : memref<1x40x128xf32, #tpu.memory_space<vmem>> -> memref<40x128xf32, #tpu.memory_space<vmem>>
        %dma_start3A_318 = tpu.memref_slice %arg5[%add3A_312] : memref<4000xi32, #tpu.memory_space<vmem>> -> memref<40xi32, #tpu.memory_space<vmem>>
        %dma_start3A_319 = arith.constant 0 : i32
        %dma_start3A_320 = arith.constant 0 : i32
        %dma_start3A_321 = tpu.memref_slice %arg2[%dma_start3A_319, %dma_start3A_320] : memref<10000x128xf32, #tpu.memory_space<hbm>> -> memref<10000x128xf32, #tpu.memory_space<hbm>>
        tpu.enqueue_indirect_dma source(%dma_start3A_321 : memref<10000x128xf32, #tpu.memory_space<hbm>>) target(%dma_start3A_317 : memref<40x128xf32, #tpu.memory_space<vmem>>) offsets(%dma_start3A_318 : memref<40xi32, #tpu.memory_space<vmem>>) semaphore(%arg11 : memref<!tpu.dma_semaphore, #tpu.memory_space<semaphore_mem>>)
        %add3A_322 = arith.constant 40 : i32
        %add3A_323 = arith.addi %add3A_312, %add3A_322 : i32
        %dma_start3A_324 = arith.constant 2 : i32
        %dma_start3A_325 = arith.constant 40 : i32
        %dma_start3A_326 = arith.constant 0 : i32
        %dma_start3A_327 = tpu.memref_slice %arg7[%dma_start3A_324, %dma_start3A_325, %dma_start3A_326] : memref<3x80x128xf32, #tpu.memory_space<vmem>> -> memref<1x40x128xf32, #tpu.memory_space<vmem>>
        %dma_start3A_328 = tpu.memref_squeeze %dma_start3A_327 : memref<1x40x128xf32, #tpu.memory_space<vmem>> -> memref<40x128xf32, #tpu.memory_space<vmem>>
        %dma_start3A_329 = tpu.memref_slice %arg5[%add3A_323] : memref<4000xi32, #tpu.memory_space<vmem>> -> memref<40xi32, #tpu.memory_space<vmem>>
        %dma_start3A_330 = arith.constant 0 : i32
        %dma_start3A_331 = arith.constant 0 : i32
        %dma_start3A_332 = tpu.memref_slice %arg2[%dma_start3A_330, %dma_start3A_331] : memref<10000x128xf32, #tpu.memory_space<hbm>> -> memref<10000x128xf32, #tpu.memory_space<hbm>>
        tpu.enqueue_indirect_dma source(%dma_start3A_332 : memref<10000x128xf32, #tpu.memory_space<hbm>>) target(%dma_start3A_328 : memref<40x128xf32, #tpu.memory_space<vmem>>) offsets(%dma_start3A_329 : memref<40xi32, #tpu.memory_space<vmem>>) semaphore(%arg11 : memref<!tpu.dma_semaphore, #tpu.memory_space<semaphore_mem>>)
        %dma_wait3A_333 = arith.constant 1 : i32
        %dma_wait3A_334 = arith.constant 0 : i32
        %dma_wait3A_335 = arith.constant 0 : i32
        %dma_wait3A_336 = tpu.memref_slice %arg7[%dma_wait3A_333, %dma_wait3A_334, %dma_wait3A_335] : memref<3x80x128xf32, #tpu.memory_space<vmem>> -> memref<1x80x128xf32, #tpu.memory_space<vmem>>
        %dma_wait3A_337 = tpu.memref_squeeze %dma_wait3A_336 : memref<1x80x128xf32, #tpu.memory_space<vmem>> -> memref<80x128xf32, #tpu.memory_space<vmem>>
        %dma_wait3A_338 = arith.constant 0 : i32
        %dma_wait3A_339 = arith.constant 0 : i32
        %dma_wait3A_340 = tpu.memref_slice %arg2[%dma_wait3A_338, %dma_wait3A_339] : memref<10000x128xf32, #tpu.memory_space<hbm>> -> memref<80x128xf32, #tpu.memory_space<hbm>>
        %dma_wait3A_341 = arith.constant 0 : i32
        %dma_wait3A_342 = arith.constant 0 : i32
        %dma_wait3A_343 = tpu.memref_slice %arg7[%dma_wait3A_333, %dma_wait3A_341, %dma_wait3A_342] : memref<3x80x128xf32, #tpu.memory_space<vmem>> -> memref<1x80x128xf32, #tpu.memory_space<vmem>>
        %dma_wait3A_344 = tpu.memref_squeeze %dma_wait3A_343 : memref<1x80x128xf32, #tpu.memory_space<vmem>> -> memref<80x128xf32, #tpu.memory_space<vmem>>
        %dma_wait3A_345 = arith.constant 0 : i32
        %dma_wait3A_346 = arith.constant 0 : i32
        %dma_wait3A_347 = tpu.memref_slice %arg2[%dma_wait3A_345, %dma_wait3A_346] : memref<10000x128xf32, #tpu.memory_space<hbm>> -> memref<80x128xf32, #tpu.memory_space<hbm>>
        tpu.wait_dma2 semaphore(%arg10 : memref<!tpu.dma_semaphore, #tpu.memory_space<semaphore_mem>>) src(%dma_wait3A_347 : memref<80x128xf32, #tpu.memory_space<hbm>>) dst(%dma_wait3A_344 : memref<80x128xf32, #tpu.memory_space<vmem>>)
        %mul3A_348 = arith.constant 25 : i32
        %mul3A_349 = arith.muli %rem3A_236, %mul3A_348 : i32
        %mul3A_350 = arith.constant 80 : i32
        %mul3A_351 = arith.muli %mul3A_349, %mul3A_350 : i32
        %mul3A_352 = arith.constant 80 : i32
        %mul3A_353 = arith.muli %rem3A_234, %mul3A_352 : i32
        %add3A_354 = arith.addi %mul3A_351, %mul3A_353 : i32
        %dma_start3A_355 = arith.constant 1 : i32
        %dma_start3A_356 = arith.constant 0 : i32
        %dma_start3A_357 = arith.constant 0 : i32
        %dma_start3A_358 = tpu.memref_slice %arg7[%dma_start3A_355, %dma_start3A_356, %dma_start3A_357] : memref<3x80x128xf32, #tpu.memory_space<vmem>> -> memref<1x40x128xf32, #tpu.memory_space<vmem>>
        %dma_start3A_359 = tpu.memref_squeeze %dma_start3A_358 : memref<1x40x128xf32, #tpu.memory_space<vmem>> -> memref<40x128xf32, #tpu.memory_space<vmem>>
        %dma_start3A_360 = tpu.memref_slice %arg6[%add3A_354] : memref<4000xi32, #tpu.memory_space<vmem>> -> memref<40xi32, #tpu.memory_space<vmem>>
        %dma_start3A_361 = arith.constant 0 : i32
        %dma_start3A_362 = arith.constant 0 : i32
        %dma_start3A_363 = tpu.memref_slice %arg8[%dma_start3A_361, %dma_start3A_362] : memref<10240x128xf32, #tpu.memory_space<vmem_shared>> -> memref<10240x128xf32, #tpu.memory_space<vmem_shared>>
        tpu.enqueue_indirect_dma source(%dma_start3A_359 : memref<40x128xf32, #tpu.memory_space<vmem>>) target(%dma_start3A_363 : memref<10240x128xf32, #tpu.memory_space<vmem_shared>>) offsets(%dma_start3A_360 : memref<40xi32, #tpu.memory_space<vmem>>) semaphore(%arg13 : memref<!tpu.dma_semaphore, #tpu.memory_space<semaphore_mem>>) {add = true}
        %add3A_364 = arith.constant 40 : i32
        %add3A_365 = arith.addi %add3A_354, %add3A_364 : i32
        %dma_start3A_366 = arith.constant 1 : i32
        %dma_start3A_367 = arith.constant 40 : i32
        %dma_start3A_368 = arith.constant 0 : i32
        %dma_start3A_369 = tpu.memref_slice %arg7[%dma_start3A_366, %dma_start3A_367, %dma_start3A_368] : memref<3x80x128xf32, #tpu.memory_space<vmem>> -> memref<1x40x128xf32, #tpu.memory_space<vmem>>
        %dma_start3A_370 = tpu.memref_squeeze %dma_start3A_369 : memref<1x40x128xf32, #tpu.memory_space<vmem>> -> memref<40x128xf32, #tpu.memory_space<vmem>>
        %dma_start3A_371 = tpu.memref_slice %arg6[%add3A_365] : memref<4000xi32, #tpu.memory_space<vmem>> -> memref<40xi32, #tpu.memory_space<vmem>>
        %dma_start3A_372 = arith.constant 0 : i32
        %dma_start3A_373 = arith.constant 0 : i32
        %dma_start3A_374 = tpu.memref_slice %arg8[%dma_start3A_372, %dma_start3A_373] : memref<10240x128xf32, #tpu.memory_space<vmem_shared>> -> memref<10240x128xf32, #tpu.memory_space<vmem_shared>>
        tpu.enqueue_indirect_dma source(%dma_start3A_370 : memref<40x128xf32, #tpu.memory_space<vmem>>) target(%dma_start3A_374 : memref<10240x128xf32, #tpu.memory_space<vmem_shared>>) offsets(%dma_start3A_371 : memref<40xi32, #tpu.memory_space<vmem>>) semaphore(%arg13 : memref<!tpu.dma_semaphore, #tpu.memory_space<semaphore_mem>>) {add = true}
        %eq3A_375 = arith.constant 2 : i32
        %eq3A_376 = arith.cmpi eq, %rem3A_234, %eq3A_375 : i32
        %convert_element_type3A_377 = arith.extui %eq3A_376 : i1 to i32
        %cond3A_378 = arith.constant 0 : i32
        %cond3A_379 = arith.cmpi ne, %convert_element_type3A_377, %cond3A_378 : i32
        scf.if %cond3A_379 {
          %add3A_380 = arith.constant 1 : i32
          %add3A_381 = arith.addi %select_n3A, %add3A_380 : i32
          %min3A_382 = arith.constant 4 : i32
          %min3A_383 = arith.minsi %add3A_381, %min3A_382 : i32
          %add3A_384 = arith.constant 1 : i32
          %add3A_385 = arith.addi %select_n3A, %add3A_384 : i32
          %rem3A_386 = arith.constant 2 : i32
          %rem3A_387 = arith.remsi %add3A_385, %rem3A_386 : i32
          %mul3A_388 = arith.constant 25 : i32
          %mul3A_389 = arith.muli %min3A_383, %mul3A_388 : i32
          %mul3A_390 = arith.constant 80 : i32
          %mul3A_391 = arith.muli %mul3A_389, %mul3A_390 : i32
          %add3A_392 = arith.addi %mul3A_33, %mul3A_391 : i32
          %mul3A_393 = arith.constant 25 : i32
          %mul3A_394 = arith.muli %rem3A_387, %mul3A_393 : i32
          %mul3A_395 = arith.constant 80 : i32
          %mul3A_396 = arith.muli %mul3A_394, %mul3A_395 : i32
          %dma_start3A_397 = tpu.memref_slice %arg5[%mul3A_396] : memref<4000xi32, #tpu.memory_space<vmem>> -> memref<2000xi32, #tpu.memory_space<vmem>>
          %dma_start3A_398 = tpu.memref_slice %arg3[%add3A_392] : memref<640000xi32, #tpu.memory_space<hbm>> -> memref<2000xi32, #tpu.memory_space<hbm>>
          %dma_start3A_399 = tpu.memref_slice %arg5[%mul3A_396] : memref<4000xi32, #tpu.memory_space<vmem>> -> memref<2000xi32, #tpu.memory_space<vmem>>
          %dma_start3A_400 = tpu.memref_slice %arg3[%add3A_392] : memref<640000xi32, #tpu.memory_space<hbm>> -> memref<2000xi32, #tpu.memory_space<hbm>>
          tpu.enqueue_dma source(%dma_start3A_400 : memref<2000xi32, #tpu.memory_space<hbm>>) target(%dma_start3A_399 : memref<2000xi32, #tpu.memory_space<vmem>>) target_semaphore(%arg15 : memref<!tpu.dma_semaphore, #tpu.memory_space<semaphore_mem>>)
          %add3A_401 = arith.constant 320000 : i32
          %add3A_402 = arith.addi %add3A_401, %add3A_392 : i32
          %dma_start3A_403 = tpu.memref_slice %arg6[%mul3A_396] : memref<4000xi32, #tpu.memory_space<vmem>> -> memref<2000xi32, #tpu.memory_space<vmem>>
          %dma_start3A_404 = tpu.memref_slice %arg3[%add3A_402] : memref<640000xi32, #tpu.memory_space<hbm>> -> memref<2000xi32, #tpu.memory_space<hbm>>
          %dma_start3A_405 = tpu.memref_slice %arg6[%mul3A_396] : memref<4000xi32, #tpu.memory_space<vmem>> -> memref<2000xi32, #tpu.memory_space<vmem>>
          %dma_start3A_406 = tpu.memref_slice %arg3[%add3A_402] : memref<640000xi32, #tpu.memory_space<hbm>> -> memref<2000xi32, #tpu.memory_space<hbm>>
          tpu.enqueue_dma source(%dma_start3A_406 : memref<2000xi32, #tpu.memory_space<hbm>>) target(%dma_start3A_405 : memref<2000xi32, #tpu.memory_space<vmem>>) target_semaphore(%arg15 : memref<!tpu.dma_semaphore, #tpu.memory_space<semaphore_mem>>)
        } else {
        }
      } else {
      }
      %rem3A_279 = arith.constant 3 : i32
      %rem3A_280 = arith.remsi %scan3A_216, %rem3A_279 : i32
      %eq3A_281 = arith.constant 2 : i32
      %eq3A_282 = arith.cmpi eq, %rem3A_280, %eq3A_281 : i32
      %convert_element_type3A_283 = arith.extui %eq3A_282 : i1 to i32
      %cond3A_284 = arith.constant 0 : i32
      %cond3A_285 = arith.cmpi ne, %convert_element_type3A_283, %cond3A_284 : i32
      scf.if %cond3A_285 {
        %eq3A_286 = arith.constant 24 : i32
        %eq3A_287 = arith.cmpi eq, %rem3A_234, %eq3A_286 : i32
        %convert_element_type3A_288 = arith.extui %eq3A_287 : i1 to i32
        %cond3A_289 = arith.constant 0 : i32
        %cond3A_290 = arith.cmpi ne, %convert_element_type3A_288, %cond3A_289 : i32
        scf.if %cond3A_290 {
          %dma_wait3A_380 = arith.constant 0 : i32
          %dma_wait3A_381 = tpu.memref_slice %arg5[%dma_wait3A_380] : memref<4000xi32, #tpu.memory_space<vmem>> -> memref<2000xi32, #tpu.memory_space<vmem>>
          %dma_wait3A_382 = arith.constant 0 : i32
          %dma_wait3A_383 = tpu.memref_slice %arg3[%dma_wait3A_382] : memref<640000xi32, #tpu.memory_space<hbm>> -> memref<2000xi32, #tpu.memory_space<hbm>>
          %dma_wait3A_384 = arith.constant 0 : i32
          %dma_wait3A_385 = tpu.memref_slice %arg5[%dma_wait3A_384] : memref<4000xi32, #tpu.memory_space<vmem>> -> memref<2000xi32, #tpu.memory_space<vmem>>
          %dma_wait3A_386 = arith.constant 0 : i32
          %dma_wait3A_387 = tpu.memref_slice %arg3[%dma_wait3A_386] : memref<640000xi32, #tpu.memory_space<hbm>> -> memref<2000xi32, #tpu.memory_space<hbm>>
          tpu.wait_dma2 semaphore(%arg15 : memref<!tpu.dma_semaphore, #tpu.memory_space<semaphore_mem>>) src(%dma_wait3A_387 : memref<2000xi32, #tpu.memory_space<hbm>>) dst(%dma_wait3A_385 : memref<2000xi32, #tpu.memory_space<vmem>>)
          %dma_wait3A_388 = arith.constant 0 : i32
          %dma_wait3A_389 = tpu.memref_slice %arg6[%dma_wait3A_388] : memref<4000xi32, #tpu.memory_space<vmem>> -> memref<2000xi32, #tpu.memory_space<vmem>>
          %dma_wait3A_390 = arith.constant 320000 : i32
          %dma_wait3A_391 = tpu.memref_slice %arg3[%dma_wait3A_390] : memref<640000xi32, #tpu.memory_space<hbm>> -> memref<2000xi32, #tpu.memory_space<hbm>>
          %dma_wait3A_392 = arith.constant 0 : i32
          %dma_wait3A_393 = tpu.memref_slice %arg6[%dma_wait3A_392] : memref<4000xi32, #tpu.memory_space<vmem>> -> memref<2000xi32, #tpu.memory_space<vmem>>
          %dma_wait3A_394 = arith.constant 320000 : i32
          %dma_wait3A_395 = tpu.memref_slice %arg3[%dma_wait3A_394] : memref<640000xi32, #tpu.memory_space<hbm>> -> memref<2000xi32, #tpu.memory_space<hbm>>
          tpu.wait_dma2 semaphore(%arg15 : memref<!tpu.dma_semaphore, #tpu.memory_space<semaphore_mem>>) src(%dma_wait3A_395 : memref<2000xi32, #tpu.memory_space<hbm>>) dst(%dma_wait3A_393 : memref<2000xi32, #tpu.memory_space<vmem>>)
        } else {
        }
        %dma_wait3A_291 = arith.constant 0 : i32
        %dma_wait3A_292 = arith.constant 0 : i32
        %dma_wait3A_293 = arith.constant 0 : i32
        %dma_wait3A_294 = tpu.memref_slice %arg7[%dma_wait3A_291, %dma_wait3A_292, %dma_wait3A_293] : memref<3x80x128xf32, #tpu.memory_space<vmem>> -> memref<1x80x128xf32, #tpu.memory_space<vmem>>
        %dma_wait3A_295 = tpu.memref_squeeze %dma_wait3A_294 : memref<1x80x128xf32, #tpu.memory_space<vmem>> -> memref<80x128xf32, #tpu.memory_space<vmem>>
        %dma_wait3A_296 = arith.constant 0 : i32
        %dma_wait3A_297 = arith.constant 0 : i32
        %dma_wait3A_298 = tpu.memref_slice %arg2[%dma_wait3A_296, %dma_wait3A_297] : memref<10000x128xf32, #tpu.memory_space<hbm>> -> memref<80x128xf32, #tpu.memory_space<hbm>>
        %dma_wait3A_299 = arith.constant 0 : i32
        %dma_wait3A_300 = arith.constant 0 : i32
        %dma_wait3A_301 = tpu.memref_slice %arg7[%dma_wait3A_291, %dma_wait3A_299, %dma_wait3A_300] : memref<3x80x128xf32, #tpu.memory_space<vmem>> -> memref<1x80x128xf32, #tpu.memory_space<vmem>>
        %dma_wait3A_302 = tpu.memref_squeeze %dma_wait3A_301 : memref<1x80x128xf32, #tpu.memory_space<vmem>> -> memref<80x128xf32, #tpu.memory_space<vmem>>
        %dma_wait3A_303 = arith.constant 0 : i32
        %dma_wait3A_304 = arith.constant 0 : i32
        %dma_wait3A_305 = tpu.memref_slice %arg2[%dma_wait3A_303, %dma_wait3A_304] : memref<10000x128xf32, #tpu.memory_space<hbm>> -> memref<80x128xf32, #tpu.memory_space<hbm>>
        tpu.wait_dma2 semaphore(%arg12 : memref<!tpu.dma_semaphore, #tpu.memory_space<semaphore_mem>>) src(%dma_wait3A_305 : memref<80x128xf32, #tpu.memory_space<hbm>>) dst(%dma_wait3A_302 : memref<80x128xf32, #tpu.memory_space<vmem>>)
        %mul3A_306 = arith.constant 25 : i32
        %mul3A_307 = arith.muli %rem3A_265, %mul3A_306 : i32
        %mul3A_308 = arith.constant 80 : i32
        %mul3A_309 = arith.muli %mul3A_307, %mul3A_308 : i32
        %mul3A_310 = arith.constant 80 : i32
        %mul3A_311 = arith.muli %rem3A_267, %mul3A_310 : i32
        %add3A_312 = arith.addi %mul3A_309, %mul3A_311 : i32
        %dma_start3A_313 = arith.constant 0 : i32
        %dma_start3A_314 = arith.constant 0 : i32
        %dma_start3A_315 = arith.constant 0 : i32
        %dma_start3A_316 = tpu.memref_slice %arg7[%dma_start3A_313, %dma_start3A_314, %dma_start3A_315] : memref<3x80x128xf32, #tpu.memory_space<vmem>> -> memref<1x40x128xf32, #tpu.memory_space<vmem>>
        %dma_start3A_317 = tpu.memref_squeeze %dma_start3A_316 : memref<1x40x128xf32, #tpu.memory_space<vmem>> -> memref<40x128xf32, #tpu.memory_space<vmem>>
        %dma_start3A_318 = tpu.memref_slice %arg5[%add3A_312] : memref<4000xi32, #tpu.memory_space<vmem>> -> memref<40xi32, #tpu.memory_space<vmem>>
        %dma_start3A_319 = arith.constant 0 : i32
        %dma_start3A_320 = arith.constant 0 : i32
        %dma_start3A_321 = tpu.memref_slice %arg2[%dma_start3A_319, %dma_start3A_320] : memref<10000x128xf32, #tpu.memory_space<hbm>> -> memref<10000x128xf32, #tpu.memory_space<hbm>>
        tpu.enqueue_indirect_dma source(%dma_start3A_321 : memref<10000x128xf32, #tpu.memory_space<hbm>>) target(%dma_start3A_317 : memref<40x128xf32, #tpu.memory_space<vmem>>) offsets(%dma_start3A_318 : memref<40xi32, #tpu.memory_space<vmem>>) semaphore(%arg9 : memref<!tpu.dma_semaphore, #tpu.memory_space<semaphore_mem>>)
        %add3A_322 = arith.constant 40 : i32
        %add3A_323 = arith.addi %add3A_312, %add3A_322 : i32
        %dma_start3A_324 = arith.constant 0 : i32
        %dma_start3A_325 = arith.constant 40 : i32
        %dma_start3A_326 = arith.constant 0 : i32
        %dma_start3A_327 = tpu.memref_slice %arg7[%dma_start3A_324, %dma_start3A_325, %dma_start3A_326] : memref<3x80x128xf32, #tpu.memory_space<vmem>> -> memref<1x40x128xf32, #tpu.memory_space<vmem>>
        %dma_start3A_328 = tpu.memref_squeeze %dma_start3A_327 : memref<1x40x128xf32, #tpu.memory_space<vmem>> -> memref<40x128xf32, #tpu.memory_space<vmem>>
        %dma_start3A_329 = tpu.memref_slice %arg5[%add3A_323] : memref<4000xi32, #tpu.memory_space<vmem>> -> memref<40xi32, #tpu.memory_space<vmem>>
        %dma_start3A_330 = arith.constant 0 : i32
        %dma_start3A_331 = arith.constant 0 : i32
        %dma_start3A_332 = tpu.memref_slice %arg2[%dma_start3A_330, %dma_start3A_331] : memref<10000x128xf32, #tpu.memory_space<hbm>> -> memref<10000x128xf32, #tpu.memory_space<hbm>>
        tpu.enqueue_indirect_dma source(%dma_start3A_332 : memref<10000x128xf32, #tpu.memory_space<hbm>>) target(%dma_start3A_328 : memref<40x128xf32, #tpu.memory_space<vmem>>) offsets(%dma_start3A_329 : memref<40xi32, #tpu.memory_space<vmem>>) semaphore(%arg9 : memref<!tpu.dma_semaphore, #tpu.memory_space<semaphore_mem>>)
        %dma_wait3A_333 = arith.constant 2 : i32
        %dma_wait3A_334 = arith.constant 0 : i32
        %dma_wait3A_335 = arith.constant 0 : i32
        %dma_wait3A_336 = tpu.memref_slice %arg7[%dma_wait3A_333, %dma_wait3A_334, %dma_wait3A_335] : memref<3x80x128xf32, #tpu.memory_space<vmem>> -> memref<1x80x128xf32, #tpu.memory_space<vmem>>
        %dma_wait3A_337 = tpu.memref_squeeze %dma_wait3A_336 : memref<1x80x128xf32, #tpu.memory_space<vmem>> -> memref<80x128xf32, #tpu.memory_space<vmem>>
        %dma_wait3A_338 = arith.constant 0 : i32
        %dma_wait3A_339 = arith.constant 0 : i32
        %dma_wait3A_340 = tpu.memref_slice %arg2[%dma_wait3A_338, %dma_wait3A_339] : memref<10000x128xf32, #tpu.memory_space<hbm>> -> memref<80x128xf32, #tpu.memory_space<hbm>>
        %dma_wait3A_341 = arith.constant 0 : i32
        %dma_wait3A_342 = arith.constant 0 : i32
        %dma_wait3A_343 = tpu.memref_slice %arg7[%dma_wait3A_333, %dma_wait3A_341, %dma_wait3A_342] : memref<3x80x128xf32, #tpu.memory_space<vmem>> -> memref<1x80x128xf32, #tpu.memory_space<vmem>>
        %dma_wait3A_344 = tpu.memref_squeeze %dma_wait3A_343 : memref<1x80x128xf32, #tpu.memory_space<vmem>> -> memref<80x128xf32, #tpu.memory_space<vmem>>
        %dma_wait3A_345 = arith.constant 0 : i32
        %dma_wait3A_346 = arith.constant 0 : i32
        %dma_wait3A_347 = tpu.memref_slice %arg2[%dma_wait3A_345, %dma_wait3A_346] : memref<10000x128xf32, #tpu.memory_space<hbm>> -> memref<80x128xf32, #tpu.memory_space<hbm>>
        tpu.wait_dma2 semaphore(%arg11 : memref<!tpu.dma_semaphore, #tpu.memory_space<semaphore_mem>>) src(%dma_wait3A_347 : memref<80x128xf32, #tpu.memory_space<hbm>>) dst(%dma_wait3A_344 : memref<80x128xf32, #tpu.memory_space<vmem>>)
        %mul3A_348 = arith.constant 25 : i32
        %mul3A_349 = arith.muli %rem3A_236, %mul3A_348 : i32
        %mul3A_350 = arith.constant 80 : i32
        %mul3A_351 = arith.muli %mul3A_349, %mul3A_350 : i32
        %mul3A_352 = arith.constant 80 : i32
        %mul3A_353 = arith.muli %rem3A_234, %mul3A_352 : i32
        %add3A_354 = arith.addi %mul3A_351, %mul3A_353 : i32
        %dma_start3A_355 = arith.constant 2 : i32
        %dma_start3A_356 = arith.constant 0 : i32
        %dma_start3A_357 = arith.constant 0 : i32
        %dma_start3A_358 = tpu.memref_slice %arg7[%dma_start3A_355, %dma_start3A_356, %dma_start3A_357] : memref<3x80x128xf32, #tpu.memory_space<vmem>> -> memref<1x40x128xf32, #tpu.memory_space<vmem>>
        %dma_start3A_359 = tpu.memref_squeeze %dma_start3A_358 : memref<1x40x128xf32, #tpu.memory_space<vmem>> -> memref<40x128xf32, #tpu.memory_space<vmem>>
        %dma_start3A_360 = tpu.memref_slice %arg6[%add3A_354] : memref<4000xi32, #tpu.memory_space<vmem>> -> memref<40xi32, #tpu.memory_space<vmem>>
        %dma_start3A_361 = arith.constant 0 : i32
        %dma_start3A_362 = arith.constant 0 : i32
        %dma_start3A_363 = tpu.memref_slice %arg8[%dma_start3A_361, %dma_start3A_362] : memref<10240x128xf32, #tpu.memory_space<vmem_shared>> -> memref<10240x128xf32, #tpu.memory_space<vmem_shared>>
        tpu.enqueue_indirect_dma source(%dma_start3A_359 : memref<40x128xf32, #tpu.memory_space<vmem>>) target(%dma_start3A_363 : memref<10240x128xf32, #tpu.memory_space<vmem_shared>>) offsets(%dma_start3A_360 : memref<40xi32, #tpu.memory_space<vmem>>) semaphore(%arg14 : memref<!tpu.dma_semaphore, #tpu.memory_space<semaphore_mem>>) {add = true}
        %add3A_364 = arith.constant 40 : i32
        %add3A_365 = arith.addi %add3A_354, %add3A_364 : i32
        %dma_start3A_366 = arith.constant 2 : i32
        %dma_start3A_367 = arith.constant 40 : i32
        %dma_start3A_368 = arith.constant 0 : i32
        %dma_start3A_369 = tpu.memref_slice %arg7[%dma_start3A_366, %dma_start3A_367, %dma_start3A_368] : memref<3x80x128xf32, #tpu.memory_space<vmem>> -> memref<1x40x128xf32, #tpu.memory_space<vmem>>
        %dma_start3A_370 = tpu.memref_squeeze %dma_start3A_369 : memref<1x40x128xf32, #tpu.memory_space<vmem>> -> memref<40x128xf32, #tpu.memory_space<vmem>>
        %dma_start3A_371 = tpu.memref_slice %arg6[%add3A_365] : memref<4000xi32, #tpu.memory_space<vmem>> -> memref<40xi32, #tpu.memory_space<vmem>>
        %dma_start3A_372 = arith.constant 0 : i32
        %dma_start3A_373 = arith.constant 0 : i32
        %dma_start3A_374 = tpu.memref_slice %arg8[%dma_start3A_372, %dma_start3A_373] : memref<10240x128xf32, #tpu.memory_space<vmem_shared>> -> memref<10240x128xf32, #tpu.memory_space<vmem_shared>>
        tpu.enqueue_indirect_dma source(%dma_start3A_370 : memref<40x128xf32, #tpu.memory_space<vmem>>) target(%dma_start3A_374 : memref<10240x128xf32, #tpu.memory_space<vmem_shared>>) offsets(%dma_start3A_371 : memref<40xi32, #tpu.memory_space<vmem>>) semaphore(%arg14 : memref<!tpu.dma_semaphore, #tpu.memory_space<semaphore_mem>>) {add = true}
        %eq3A_375 = arith.constant 2 : i32
        %eq3A_376 = arith.cmpi eq, %rem3A_234, %eq3A_375 : i32
        %convert_element_type3A_377 = arith.extui %eq3A_376 : i1 to i32
        %cond3A_378 = arith.constant 0 : i32
        %cond3A_379 = arith.cmpi ne, %convert_element_type3A_377, %cond3A_378 : i32
        scf.if %cond3A_379 {
          %add3A_380 = arith.constant 1 : i32
          %add3A_381 = arith.addi %select_n3A, %add3A_380 : i32
          %min3A_382 = arith.constant 4 : i32
          %min3A_383 = arith.minsi %add3A_381, %min3A_382 : i32
          %add3A_384 = arith.constant 1 : i32
          %add3A_385 = arith.addi %select_n3A, %add3A_384 : i32
          %rem3A_386 = arith.constant 2 : i32
          %rem3A_387 = arith.remsi %add3A_385, %rem3A_386 : i32
          %mul3A_388 = arith.constant 25 : i32
          %mul3A_389 = arith.muli %min3A_383, %mul3A_388 : i32
          %mul3A_390 = arith.constant 80 : i32
          %mul3A_391 = arith.muli %mul3A_389, %mul3A_390 : i32
          %add3A_392 = arith.addi %mul3A_33, %mul3A_391 : i32
          %mul3A_393 = arith.constant 25 : i32
          %mul3A_394 = arith.muli %rem3A_387, %mul3A_393 : i32
          %mul3A_395 = arith.constant 80 : i32
          %mul3A_396 = arith.muli %mul3A_394, %mul3A_395 : i32
          %dma_start3A_397 = tpu.memref_slice %arg5[%mul3A_396] : memref<4000xi32, #tpu.memory_space<vmem>> -> memref<2000xi32, #tpu.memory_space<vmem>>
          %dma_start3A_398 = tpu.memref_slice %arg3[%add3A_392] : memref<640000xi32, #tpu.memory_space<hbm>> -> memref<2000xi32, #tpu.memory_space<hbm>>
          %dma_start3A_399 = tpu.memref_slice %arg5[%mul3A_396] : memref<4000xi32, #tpu.memory_space<vmem>> -> memref<2000xi32, #tpu.memory_space<vmem>>
          %dma_start3A_400 = tpu.memref_slice %arg3[%add3A_392] : memref<640000xi32, #tpu.memory_space<hbm>> -> memref<2000xi32, #tpu.memory_space<hbm>>
          tpu.enqueue_dma source(%dma_start3A_400 : memref<2000xi32, #tpu.memory_space<hbm>>) target(%dma_start3A_399 : memref<2000xi32, #tpu.memory_space<vmem>>) target_semaphore(%arg15 : memref<!tpu.dma_semaphore, #tpu.memory_space<semaphore_mem>>)
          %add3A_401 = arith.constant 320000 : i32
          %add3A_402 = arith.addi %add3A_401, %add3A_392 : i32
          %dma_start3A_403 = tpu.memref_slice %arg6[%mul3A_396] : memref<4000xi32, #tpu.memory_space<vmem>> -> memref<2000xi32, #tpu.memory_space<vmem>>
          %dma_start3A_404 = tpu.memref_slice %arg3[%add3A_402] : memref<640000xi32, #tpu.memory_space<hbm>> -> memref<2000xi32, #tpu.memory_space<hbm>>
          %dma_start3A_405 = tpu.memref_slice %arg6[%mul3A_396] : memref<4000xi32, #tpu.memory_space<vmem>> -> memref<2000xi32, #tpu.memory_space<vmem>>
          %dma_start3A_406 = tpu.memref_slice %arg3[%add3A_402] : memref<640000xi32, #tpu.memory_space<hbm>> -> memref<2000xi32, #tpu.memory_space<hbm>>
          tpu.enqueue_dma source(%dma_start3A_406 : memref<2000xi32, #tpu.memory_space<hbm>>) target(%dma_start3A_405 : memref<2000xi32, #tpu.memory_space<vmem>>) target_semaphore(%arg15 : memref<!tpu.dma_semaphore, #tpu.memory_space<semaphore_mem>>)
        } else {
        }
      } else {
      }
    }
    %scan3A_169 = arith.constant 123 : i32
    %dma_wait3A_170 = arith.constant 2 : i32
    %dma_wait3A_171 = arith.constant 0 : i32
    %dma_wait3A_172 = arith.constant 0 : i32
    %dma_wait3A_173 = tpu.memref_slice %arg7[%dma_wait3A_170, %dma_wait3A_171, %dma_wait3A_172] : memref<3x80x128xf32, #tpu.memory_space<vmem>> -> memref<1x80x128xf32, #tpu.memory_space<vmem>>
    %dma_wait3A_174 = tpu.memref_squeeze %dma_wait3A_173 : memref<1x80x128xf32, #tpu.memory_space<vmem>> -> memref<80x128xf32, #tpu.memory_space<vmem>>
    %dma_wait3A_175 = arith.constant 0 : i32
    %dma_wait3A_176 = arith.constant 0 : i32
    %dma_wait3A_177 = tpu.memref_slice %arg2[%dma_wait3A_175, %dma_wait3A_176] : memref<10000x128xf32, #tpu.memory_space<hbm>> -> memref<80x128xf32, #tpu.memory_space<hbm>>
    %dma_wait3A_178 = arith.constant 0 : i32
    %dma_wait3A_179 = arith.constant 0 : i32
    %dma_wait3A_180 = tpu.memref_slice %arg7[%dma_wait3A_170, %dma_wait3A_178, %dma_wait3A_179] : memref<3x80x128xf32, #tpu.memory_space<vmem>> -> memref<1x80x128xf32, #tpu.memory_space<vmem>>
    %dma_wait3A_181 = tpu.memref_squeeze %dma_wait3A_180 : memref<1x80x128xf32, #tpu.memory_space<vmem>> -> memref<80x128xf32, #tpu.memory_space<vmem>>
    %dma_wait3A_182 = arith.constant 0 : i32
    %dma_wait3A_183 = arith.constant 0 : i32
    %dma_wait3A_184 = tpu.memref_slice %arg2[%dma_wait3A_182, %dma_wait3A_183] : memref<10000x128xf32, #tpu.memory_space<hbm>> -> memref<80x128xf32, #tpu.memory_space<hbm>>
    tpu.wait_dma2 semaphore(%arg11 : memref<!tpu.dma_semaphore, #tpu.memory_space<semaphore_mem>>) src(%dma_wait3A_184 : memref<80x128xf32, #tpu.memory_space<hbm>>) dst(%dma_wait3A_181 : memref<80x128xf32, #tpu.memory_space<vmem>>)
    %dma_wait3A_185 = arith.constant 0 : i32
    %dma_wait3A_186 = arith.constant 0 : i32
    %dma_wait3A_187 = arith.constant 0 : i32
    %dma_wait3A_188 = tpu.memref_slice %arg7[%dma_wait3A_185, %dma_wait3A_186, %dma_wait3A_187] : memref<3x80x128xf32, #tpu.memory_space<vmem>> -> memref<1x80x128xf32, #tpu.memory_space<vmem>>
    %dma_wait3A_189 = tpu.memref_squeeze %dma_wait3A_188 : memref<1x80x128xf32, #tpu.memory_space<vmem>> -> memref<80x128xf32, #tpu.memory_space<vmem>>
    %dma_wait3A_190 = arith.constant 0 : i32
    %dma_wait3A_191 = arith.constant 0 : i32
    %dma_wait3A_192 = tpu.memref_slice %arg2[%dma_wait3A_190, %dma_wait3A_191] : memref<10000x128xf32, #tpu.memory_space<hbm>> -> memref<80x128xf32, #tpu.memory_space<hbm>>
    %dma_wait3A_193 = arith.constant 0 : i32
    %dma_wait3A_194 = arith.constant 0 : i32
    %dma_wait3A_195 = tpu.memref_slice %arg7[%dma_wait3A_185, %dma_wait3A_193, %dma_wait3A_194] : memref<3x80x128xf32, #tpu.memory_space<vmem>> -> memref<1x80x128xf32, #tpu.memory_space<vmem>>
    %dma_wait3A_196 = tpu.memref_squeeze %dma_wait3A_195 : memref<1x80x128xf32, #tpu.memory_space<vmem>> -> memref<80x128xf32, #tpu.memory_space<vmem>>
    %dma_wait3A_197 = arith.constant 0 : i32
    %dma_wait3A_198 = arith.constant 0 : i32
    %dma_wait3A_199 = tpu.memref_slice %arg2[%dma_wait3A_197, %dma_wait3A_198] : memref<10000x128xf32, #tpu.memory_space<hbm>> -> memref<80x128xf32, #tpu.memory_space<hbm>>
    tpu.wait_dma2 semaphore(%arg12 : memref<!tpu.dma_semaphore, #tpu.memory_space<semaphore_mem>>) src(%dma_wait3A_199 : memref<80x128xf32, #tpu.memory_space<hbm>>) dst(%dma_wait3A_196 : memref<80x128xf32, #tpu.memory_space<vmem>>)
    %dma_wait3A_200 = arith.constant 1 : i32
    %dma_wait3A_201 = arith.constant 0 : i32
    %dma_wait3A_202 = arith.constant 0 : i32
    %dma_wait3A_203 = tpu.memref_slice %arg7[%dma_wait3A_200, %dma_wait3A_201, %dma_wait3A_202] : memref<3x80x128xf32, #tpu.memory_space<vmem>> -> memref<1x80x128xf32, #tpu.memory_space<vmem>>
    %dma_wait3A_204 = tpu.memref_squeeze %dma_wait3A_203 : memref<1x80x128xf32, #tpu.memory_space<vmem>> -> memref<80x128xf32, #tpu.memory_space<vmem>>
    %dma_wait3A_205 = arith.constant 0 : i32
    %dma_wait3A_206 = arith.constant 0 : i32
    %dma_wait3A_207 = tpu.memref_slice %arg2[%dma_wait3A_205, %dma_wait3A_206] : memref<10000x128xf32, #tpu.memory_space<hbm>> -> memref<80x128xf32, #tpu.memory_space<hbm>>
    %dma_wait3A_208 = arith.constant 0 : i32
    %dma_wait3A_209 = arith.constant 0 : i32
    %dma_wait3A_210 = tpu.memref_slice %arg7[%dma_wait3A_200, %dma_wait3A_208, %dma_wait3A_209] : memref<3x80x128xf32, #tpu.memory_space<vmem>> -> memref<1x80x128xf32, #tpu.memory_space<vmem>>
    %dma_wait3A_211 = tpu.memref_squeeze %dma_wait3A_210 : memref<1x80x128xf32, #tpu.memory_space<vmem>> -> memref<80x128xf32, #tpu.memory_space<vmem>>
    %dma_wait3A_212 = arith.constant 0 : i32
    %dma_wait3A_213 = arith.constant 0 : i32
    %dma_wait3A_214 = tpu.memref_slice %arg2[%dma_wait3A_212, %dma_wait3A_213] : memref<10000x128xf32, #tpu.memory_space<hbm>> -> memref<80x128xf32, #tpu.memory_space<hbm>>
    tpu.wait_dma2 semaphore(%arg13 : memref<!tpu.dma_semaphore, #tpu.memory_space<semaphore_mem>>) src(%dma_wait3A_214 : memref<80x128xf32, #tpu.memory_space<hbm>>) dst(%dma_wait3A_211 : memref<80x128xf32, #tpu.memory_space<vmem>>)
    %barrier3A_215 = arith.constant 0 : index
    tpu.barrier barrier_id(%barrier3A_215)
    "tpu.region"() ({
      %run_scoped3A_216 = tpu.sem_alloc : memref<!tpu.dma_semaphore, #tpu.memory_space<semaphore_mem>>
      %dma_start3A_217 = arith.constant 0 : i32
      %dma_start3A_218 = tpu.memref_slice %arg4[%arg0, %mul3A_2, %dma_start3A_217] : memref<2x10240x128xf32, #tpu.memory_space<hbm>> -> memref<1x640x128xf32, #tpu.memory_space<hbm>>
      %dma_start3A_219 = tpu.memref_squeeze %dma_start3A_218 : memref<1x640x128xf32, #tpu.memory_space<hbm>> -> memref<640x128xf32, #tpu.memory_space<hbm>>
      %dma_start3A_220 = arith.constant 0 : i32
      %dma_start3A_221 = tpu.memref_slice %arg8[%mul3A_2, %dma_start3A_220] : memref<10240x128xf32, #tpu.memory_space<vmem_shared>> -> memref<640x128xf32, #tpu.memory_space<vmem_shared>>
      tpu.enqueue_dma source(%dma_start3A_221 : memref<640x128xf32, #tpu.memory_space<vmem_shared>>) target(%dma_start3A_219 : memref<640x128xf32, #tpu.memory_space<hbm>>) target_semaphore(%run_scoped3A_216 : memref<!tpu.dma_semaphore, #tpu.memory_space<semaphore_mem>>)
      %dma_wait3A_222 = arith.constant 0 : i32
      %dma_wait3A_223 = tpu.memref_slice %arg4[%arg0, %mul3A_2, %dma_wait3A_222] : memref<2x10240x128xf32, #tpu.memory_space<hbm>> -> memref<1x640x128xf32, #tpu.memory_space<hbm>>
      %dma_wait3A_224 = tpu.memref_squeeze %dma_wait3A_223 : memref<1x640x128xf32, #tpu.memory_space<hbm>> -> memref<640x128xf32, #tpu.memory_space<hbm>>
      %dma_wait3A_225 = arith.constant 0 : i32
      %dma_wait3A_226 = tpu.memref_slice %arg8[%mul3A_2, %dma_wait3A_225] : memref<10240x128xf32, #tpu.memory_space<vmem_shared>> -> memref<640x128xf32, #tpu.memory_space<vmem_shared>>
      tpu.wait_dma2 semaphore(%run_scoped3A_216 : memref<!tpu.dma_semaphore, #tpu.memory_space<semaphore_mem>>) src(%dma_wait3A_226 : memref<640x128xf32, #tpu.memory_space<vmem_shared>>) dst(%dma_wait3A_224 : memref<640x128xf32, #tpu.memory_space<hbm>>)
      tpu.yield
    }) : () -> ()
    return
  }
}

module attributes {stable_mosaic.version = 14 : i64} {
  func.func @_comb_body(%arg0: i32, %arg1: memref<2x5000x128xf32, #tpu.memory_space<vmem>>, %arg2: memref<5000x1xf32, #tpu.memory_space<vmem>>, %arg3: memref<5000x128xf32, #tpu.memory_space<vmem>>) attributes {dimension_semantics = [#tpu.dimension_semantics<arbitrary>], iteration_bounds = array<i64: 2>, scalar_prefetch = 0 : i64, scratch_operands = 0 : i64, tpu.core_type = #tpu.core_type<tc>, window_params = [{transform_indices = @transform_0, window_bounds = array<i64: 2, 5000, 128>}, {transform_indices = @transform_1, window_bounds = array<i64: 5000, 1>}, {transform_indices = @transform_2, window_bounds = array<i64: 5000, 128>}]} {
    %get3A = arith.constant 0 : index
    %get3A_0 = arith.constant 0 : index
    %get3A_1 = vector.load %arg2[%get3A, %get3A_0] : memref<5000x1xf32, #tpu.memory_space<vmem>>, vector<5000x1xf32>
    %get3A_2 = arith.constant 0 : index
    %get3A_3 = arith.constant 0 : index
    %get3A_4 = arith.constant 0 : index
    %get3A_5 = vector.load %arg1[%get3A_2, %get3A_3, %get3A_4] : memref<2x5000x128xf32, #tpu.memory_space<vmem>>, vector<1x5000x128xf32>
    %get3A_6 = vector.shape_cast %get3A_5 : vector<1x5000x128xf32> to vector<5000x128xf32>
    %get3A_7 = arith.constant 1 : index
    %get3A_8 = arith.constant 0 : index
    %get3A_9 = arith.constant 0 : index
    %get3A_10 = vector.load %arg1[%get3A_7, %get3A_8, %get3A_9] : memref<2x5000x128xf32, #tpu.memory_space<vmem>>, vector<1x5000x128xf32>
    %get3A_11 = vector.shape_cast %get3A_10 : vector<1x5000x128xf32> to vector<5000x128xf32>
    %add3A = arith.addf %get3A_6, %get3A_11 : vector<5000x128xf32>
    %mul3A = vector.broadcast %get3A_1 : vector<5000x1xf32> to vector<5000x128xf32>
    %mul3A_12 = arith.mulf %mul3A, %add3A : vector<5000x128xf32>
    %swap3A = arith.constant 0 : index
    %swap3A_13 = arith.constant 0 : index
    %swap3A_14 = vector.load %arg3[%swap3A, %swap3A_13] : memref<5000x128xf32, #tpu.memory_space<vmem>>, vector<5000x128xf32>
    tpu.vector_store %arg3[%swap3A, %swap3A_13], %mul3A_12 {strides = array<i32>} : memref<5000x128xf32, #tpu.memory_space<vmem>>, vector<5000x128xf32>,
    return
  }
  func.func @transform_0(%arg0: i32) -> (i32, i32, i32) {
    %c0_i32 = arith.constant 0 : i32
    %c0_i32_0 = arith.constant 0 : i32
    %c0_i32_1 = arith.constant 0 : i32
    return %c0_i32, %arg0, %c0_i32_0 : i32, i32, i32
  }
  func.func @transform_1(%arg0: i32) -> (i32, i32) {
    %c0_i32 = arith.constant 0 : i32
    %c0_i32_0 = arith.constant 0 : i32
    return %arg0, %c0_i32 : i32, i32
  }
  func.func @transform_2(%arg0: i32) -> (i32, i32) {
    %c0_i32 = arith.constant 0 : i32
    %c0_i32_0 = arith.constant 0 : i32
    return %arg0, %c0_i32 : i32, i32
  }
}

module attributes {stable_mosaic.version = 14 : i64} {
  func.func @_mm_body(%arg0: i32, %arg1: memref<1x4xf32, #tpu.memory_space<vmem>>, %arg2: memref<4x128x128xf32, #tpu.memory_space<vmem>>, %arg3: memref<5000x128xf32, #tpu.memory_space<vmem>>, %arg4: memref<5000x128xf32, #tpu.memory_space<vmem>>) attributes {dimension_semantics = [#tpu.dimension_semantics<arbitrary>], iteration_bounds = array<i64: 2>, scalar_prefetch = 0 : i64, scratch_operands = 0 : i64, tpu.core_type = #tpu.core_type<tc>, window_params = [{pipeline_mode = #tpu.pipeline_mode<synchronous>, transform_indices = @transform_0, window_bounds = array<i64: 1, 4>}, {pipeline_mode = #tpu.pipeline_mode<synchronous>, transform_indices = @transform_1, window_bounds = array<i64: 4, 128, 128>}, {transform_indices = @transform_2, window_bounds = array<i64: 5000, 128>}, {transform_indices = @transform_3, window_bounds = array<i64: 5000, 128>}]} {
    %get3A = arith.constant 0 : index
    %get3A_0 = arith.constant 0 : index
    %get3A_1 = vector.load %arg1[%get3A, %get3A_0] : memref<1x4xf32, #tpu.memory_space<vmem>>, vector<1x4xf32>
    %reduce_max3A = vector.shape_cast %get3A_1 : vector<1x4xf32> to vector<1x1x4xf32>
    %reduce_max3A_2 = arith.constant dense<0xFF800000> : vector<1xf32>
    %reduce_max3A_3 = vector.multi_reduction <maximumf>, %reduce_max3A, %reduce_max3A_2 [1, 2] : vector<1x1x4xf32> to vector<1xf32>
    %reduce_max3A_4 = vector.shape_cast %reduce_max3A_3 : vector<1xf32> to vector<1x1x1xf32>
    %reduce_max3A_5 = vector.extract %reduce_max3A_4[0, 0, 0] : f32 from vector<1x1x1xf32>
    %sub3A = vector.broadcast %reduce_max3A_5 : f32 to vector<1x4xf32>
    %sub3A_6 = arith.subf %get3A_1, %sub3A : vector<1x4xf32>
    %exp3A = math.exp %sub3A_6 : vector<1x4xf32>
    %reduce_sum3A = vector.shape_cast %exp3A : vector<1x4xf32> to vector<1x1x4xf32>
    %reduce_sum3A_7 = arith.constant dense<0.000000e+00> : vector<1xf32>
    %reduce_sum3A_8 = vector.multi_reduction <add>, %reduce_sum3A, %reduce_sum3A_7 [1, 2] : vector<1x1x4xf32> to vector<1xf32>
    %reduce_sum3A_9 = vector.shape_cast %reduce_sum3A_8 : vector<1xf32> to vector<1x1x1xf32>
    %reduce_sum3A_10 = vector.extract %reduce_sum3A_9[0, 0, 0] : f32 from vector<1x1x1xf32>
    %div3A = vector.broadcast %reduce_sum3A_10 : f32 to vector<1x4xf32>
    %div3A_11 = arith.divf %exp3A, %div3A : vector<1x4xf32>
    %get3A_12 = arith.constant 0 : index
    %get3A_13 = arith.constant 0 : index
    %get3A_14 = arith.constant 0 : index
    %get3A_15 = vector.load %arg2[%get3A_12, %get3A_13, %get3A_14] : memref<4x128x128xf32, #tpu.memory_space<vmem>>, vector<1x128x128xf32>
    %get3A_16 = vector.shape_cast %get3A_15 : vector<1x128x128xf32> to vector<128x128xf32>
    %slice3A = vector.extract_strided_slice %div3A_11 {offsets = [0, 0], sizes = [1, 1], strides = [1, 1]} : vector<1x4xf32> to vector<1x1xf32>
    %mul3A = vector.broadcast %slice3A : vector<1x1xf32> to vector<128x128xf32>
    %mul3A_17 = arith.mulf %get3A_16, %mul3A : vector<128x128xf32>
    %get3A_18 = arith.constant 1 : index
    %get3A_19 = arith.constant 0 : index
    %get3A_20 = arith.constant 0 : index
    %get3A_21 = vector.load %arg2[%get3A_18, %get3A_19, %get3A_20] : memref<4x128x128xf32, #tpu.memory_space<vmem>>, vector<1x128x128xf32>
    %get3A_22 = vector.shape_cast %get3A_21 : vector<1x128x128xf32> to vector<128x128xf32>
    %slice3A_23 = vector.extract_strided_slice %div3A_11 {offsets = [0, 1], sizes = [1, 1], strides = [1, 1]} : vector<1x4xf32> to vector<1x1xf32>
    %mul3A_24 = vector.broadcast %slice3A_23 : vector<1x1xf32> to vector<128x128xf32>
    %mul3A_25 = arith.mulf %get3A_22, %mul3A_24 : vector<128x128xf32>
    %add3A = arith.addf %mul3A_17, %mul3A_25 : vector<128x128xf32>
    %get3A_26 = arith.constant 2 : index
    %get3A_27 = arith.constant 0 : index
    %get3A_28 = arith.constant 0 : index
    %get3A_29 = vector.load %arg2[%get3A_26, %get3A_27, %get3A_28] : memref<4x128x128xf32, #tpu.memory_space<vmem>>, vector<1x128x128xf32>
    %get3A_30 = vector.shape_cast %get3A_29 : vector<1x128x128xf32> to vector<128x128xf32>
    %slice3A_31 = vector.extract_strided_slice %div3A_11 {offsets = [0, 2], sizes = [1, 1], strides = [1, 1]} : vector<1x4xf32> to vector<1x1xf32>
    %mul3A_32 = vector.broadcast %slice3A_31 : vector<1x1xf32> to vector<128x128xf32>
    %mul3A_33 = arith.mulf %get3A_30, %mul3A_32 : vector<128x128xf32>
    %add3A_34 = arith.addf %add3A, %mul3A_33 : vector<128x128xf32>
    %get3A_35 = arith.constant 3 : index
    %get3A_36 = arith.constant 0 : index
    %get3A_37 = arith.constant 0 : index
    %get3A_38 = vector.load %arg2[%get3A_35, %get3A_36, %get3A_37] : memref<4x128x128xf32, #tpu.memory_space<vmem>>, vector<1x128x128xf32>
    %get3A_39 = vector.shape_cast %get3A_38 : vector<1x128x128xf32> to vector<128x128xf32>
    %slice3A_40 = vector.extract_strided_slice %div3A_11 {offsets = [0, 3], sizes = [1, 1], strides = [1, 1]} : vector<1x4xf32> to vector<1x1xf32>
    %mul3A_41 = vector.broadcast %slice3A_40 : vector<1x1xf32> to vector<128x128xf32>
    %mul3A_42 = arith.mulf %get3A_39, %mul3A_41 : vector<128x128xf32>
    %add3A_43 = arith.addf %add3A_34, %mul3A_42 : vector<128x128xf32>
    %get3A_44 = arith.constant 0 : index
    %get3A_45 = arith.constant 0 : index
    %get3A_46 = vector.load %arg3[%get3A_44, %get3A_45] : memref<5000x128xf32, #tpu.memory_space<vmem>>, vector<5000x128xf32>
    %dot_general3A = arith.constant dense<0.000000e+00> : vector<5000x128xf32>
    %dot_general3A_47 = tpu.matmul %get3A_46, %add3A_43, %dot_general3A {dimension_numbers = #tpu.dot_dimension_numbers<[1], [0], [0], [1], [0, 0, 1, 1], [], []>, transpose_lhs_hint = false} : vector<5000x128xf32>, vector<128x128xf32>, vector<5000x128xf32> -> vector<5000x128xf32>
    %swap3A = arith.constant 0 : index
    %swap3A_48 = arith.constant 0 : index
    %swap3A_49 = vector.load %arg4[%swap3A, %swap3A_48] : memref<5000x128xf32, #tpu.memory_space<vmem>>, vector<5000x128xf32>
    tpu.vector_store %arg4[%swap3A, %swap3A_48], %dot_general3A_47 {strides = array<i32>} : memref<5000x128xf32, #tpu.memory_space<vmem>>, vector<5000x128xf32>,
    return
  }
  func.func @transform_0(%arg0: i32) -> (i32, i32) {
    %c0_i32 = arith.constant 0 : i32
    %c0_i32_0 = arith.constant 0 : i32
    %c0_i32_1 = arith.constant 0 : i32
    return %c0_i32, %c0_i32_0 : i32, i32
  }
  func.func @transform_1(%arg0: i32) -> (i32, i32, i32) {
    %c0_i32 = arith.constant 0 : i32
    %c0_i32_0 = arith.constant 0 : i32
    %c0_i32_1 = arith.constant 0 : i32
    %c0_i32_2 = arith.constant 0 : i32
    return %c0_i32, %c0_i32_0, %c0_i32_1 : i32, i32, i32
  }
  func.func @transform_2(%arg0: i32) -> (i32, i32) {
    %c0_i32 = arith.constant 0 : i32
    %c0_i32_0 = arith.constant 0 : i32
    return %arg0, %c0_i32 : i32, i32
  }
  func.func @transform_3(%arg0: i32) -> (i32, i32) {
    %c0_i32 = arith.constant 0 : i32
    %c0_i32_0 = arith.constant 0 : i32
    return %arg0, %c0_i32 : i32, i32
  }
}

</mosaic_0001>

<sc_bundles>
// kernel: kernel.5.cloned.1.call-start
scs
__scs_entry_jumppad:
0x0: {  	(pc) =	sbr.rel $0x88, $3  }
0x1: {  	(tag) =	ssettag $0x0;
	lr =	simm.s32 $0x1  }
0x2: {  	[smem:$0x3F9C] =	sst lr;
	_ =	strace $0xD0000000  }
0x3: {  	_ = 	snop  }
0x4: {  	_ = 	snop  }
0x5: {  	_ = 	snop  }
0x6: {  	_ = 	snop  }
0x7: {  	_ = 	snop  }
__scs_overlays_trampoline_lowered:
0x8: {  	[smem:$0x3FAB] =	sst s0  }
0x9: {  	[smem:$0x3FAC] =	sst s1  }
0xa: {  	[smem:$0x3FAD] =	sst s2  }
0xb: {  	[smem:$0x3FAE] =	sst s3  }
0xc: {  	[smem:$0x3FAF] =	sst s4  }
0xd: {  	[smem:$0x3FB0] =	sst s5  }
0xe: {  	[smem:$0x3FB1] =	sst s6  }
0xf: {  	[smem:$0x3FB2] =	sst s7  }
0x10: {  	[smem:$0x3FB3] =	sst s8  }
0x11: {  	[smem:$0x3FB4] =	sst s9;
	s0 =	simm.s32 @!p0 $0x0  }
0x12: {  	s1 =	sld [smem:$0x3F9A];
	s0 =	simm.s32 @p0 $0x1  }
0x13: {  	[smem:$0x3FB5] =	sst s0;
	s0 =	simm.s32 @!p1 $0x0  }
0x14: {  	s2 =	sld [smem:$0x3F99];
	s0 =	simm.s32 @p1 $0x1  }
0x15: {  	[smem:$0x3FB6] =	sst s0;
	s0 =	simm.s32 @!p2 $0x0  }
0x16: {  	s3 =	sld [smem:$0x3FDB];
	s0 =	simm.s32 @p2 $0x1  }
0x17: {  	s4 =	simm.s32 $0x1BF5;
	[smem:$0x3FB8] =	sst s0  }
0x18: {  	s0 =	sld [smem:$0x3F9B];
	_ =	swait.ge [sflag:s4], $0x0  }
0x19: {  	s7 =	sld [smem:$0x3F9C]  }
0x1a: {  	s8 =	sadd.s32 $0xFFFFE003, lr  }
0x1b: {  	s9 =	sadd.s32 $0xFFFFFEF7, lr;
	s5 =	simm.s32 $0xFFFFFFFF;
	p2 =	slt.u32 s8, $0xFFFFF086  }
0x1c: {  	p1 =	slt.u32 s9, $0xF7A;
	s5 =	simm.s32 @!p2 $0x0  }
0x1d: {  	s5 =	simm.s32 @p1 $0x1;
	p0 =	seq.s32 s7, s2  }
0x1e: {  	s7 =	smul.u32 @!p0 $0xF7A, s2;
	p2 =	seq.s32 @!p0 s5, $0x0  }
0x1f: {  	s9 =	smul.u32 $0xF7A, s1;
	s8 =	simm.s32 @!p0 $0x1BF5;
	p2 =	por !p2, p0  }
0x20: {  	[sflag:s8] =	ssyncset.s32 @!p0 $0xFFFFF086;
	s6 =	sadd.s32 @!p0 s3, s7;
	s7 =	simm.s32 @!p0 $0x108  }
0x21: {  	s3 =	sadd.s32 s3, s9;
	s6 =	sadd.s32 @!p0 $0x88, s6;
	s7 =	simm.s32 @p2 $0x1082  }
0x22: {  	[simem:s7], [sflag:s8] =	dma.local @!p0 [hbm:s6], $0xF7A  }
0x23: {  	s9 =	sor.u32 $0xD0000000, s2;
	s6 =	simm.s32 $0x108;
	_ =	swait.ge @!p0 [sflag:s8], $0x0  }
0x24: {  	s3 =	sadd.s32 $0x88, s3;
	s6 =	simm.s32 @!p1 $0x1082;
	[sflag:s4] =	ssyncset.s32 $0xFFFFF086  }
0x25: {  	[simem:s6], [sflag:s4] =	dma.local [hbm:s3], $0xF7A  }
0x26: {  	[smem:$0x3F9C] =	sst s1;
	(tag) =	ssettag s2;
	_ =	strace s9  }
0x27: {  	s1 =	sld [smem:$0x3FAC]  }
0x28: {  	s2 =	sld [smem:$0x3FAD]  }
0x29: {  	s4 =	sld [smem:$0x3FAF]  }
0x2a: {  	p0 =	seq.s32 s5, $0x0;
	s5 =	sld [smem:$0x3FB0]  }
0x2b: {  	s6 =	sld [smem:$0x3FB1]  }
0x2c: {  	s7 =	sld [smem:$0x3FB2]  }
0x2d: {  	s3 =	simm.s32 $0x108;
	s8 =	sld [smem:$0x3FB3]  }
0x2e: {  	s3 =	simm.s32 @!p0 $0x1082;
	s9 =	sld [smem:$0x3FB4]  }
0x2f: {  	lr =	sadd.s32 s0, s3;
	s0 =	sld [smem:$0x3FAB]  }
0x30: {  	s3 =	sld [smem:$0x3FAE]  }
0x31: {  	[smem:$0x3FB7] =	sst s10  }
0x32: {  	s10 =	sld [smem:$0x3FB5];
	_ =	sdelay $0x3  }
0x33: {  	p0 =	seq.s32 s10, $0x1;
	s10 =	sld [smem:$0x3FB7];
	_ =	sdelay $0x3  }
0x34: {  	[smem:$0x3FB7] =	sst s10  }
0x35: {  	s10 =	sld [smem:$0x3FB6];
	_ =	sdelay $0x3  }
0x36: {  	p1 =	seq.s32 s10, $0x1;
	s10 =	sld [smem:$0x3FB7];
	_ =	sdelay $0x3  }
0x37: {  	[smem:$0x3FB7] =	sst s10  }
0x38: {  	s10 =	sld [smem:$0x3FB8]  }
0x39: {  	_ = 	snop;
	(pc) =	sbr.ind lr, $3  }
0x3a: {  	_ = 	snop  }
0x3b: {  	_ = 	snop  }
0x3c: {  	p2 =	seq.s32 s10, $0x1;
	s10 =	sld [smem:$0x3FB7]  }
0x3d: {  	_ =	shalt  }
0x3e: {  	_ =	shalt  }
0x3f: {  	_ =	shalt  }
0x40: {  	_ =	shalt  }
0x41: {  	_ =	shalt  }
0x42: {  	_ =	shalt  }
0x43: {  	_ =	shalt  }
0x44: {  	_ =	shalt  }
0x45: {  	_ =	shalt  }
0x46: {  	_ =	shalt  }
0x47: {  	_ =	shalt  }
0x48: {  	_ =	shalt  }
0x49: {  	_ =	shalt  }
0x4a: {  	_ =	shalt  }
0x4b: {  	_ =	shalt  }
0x4c: {  	_ =	shalt  }
0x4d: {  	_ =	shalt  }
0x4e: {  	_ =	shalt  }
0x4f: {  	_ =	shalt  }
0x50: {  	_ =	shalt  }
0x51: {  	_ =	shalt  }
0x52: {  	_ =	shalt  }
0x53: {  	_ =	shalt  }
0x54: {  	_ =	shalt  }
0x55: {  	_ =	shalt  }
0x56: {  	_ =	shalt  }
0x57: {  	_ =	shalt  }
0x58: {  	_ =	shalt  }
0x59: {  	_ =	shalt  }
0x5a: {  	_ =	shalt  }
0x5b: {  	_ =	shalt  }
0x5c: {  	_ =	shalt  }
0x5d: {  	_ =	shalt  }
0x5e: {  	_ =	shalt  }
0x5f: {  	_ =	shalt  }
0x60: {  	_ =	shalt  }
0x61: {  	_ =	shalt  }
0x62: {  	_ =	shalt  }
0x63: {  	_ =	shalt  }
0x64: {  	_ =	shalt  }
0x65: {  	_ =	shalt  }
0x66: {  	_ =	shalt  }
0x67: {  	_ =	shalt  }
0x68: {  	_ =	shalt  }
0x69: {  	_ =	shalt  }
0x6a: {  	_ =	shalt  }
0x6b: {  	_ =	shalt  }
0x6c: {  	_ =	shalt  }
0x6d: {  	_ =	shalt  }
0x6e: {  	_ =	shalt  }
0x6f: {  	_ =	shalt  }
0x70: {  	_ =	shalt  }
0x71: {  	_ =	shalt  }
0x72: {  	_ =	shalt  }
0x73: {  	_ =	shalt  }
0x74: {  	_ =	shalt  }
0x75: {  	_ =	shalt  }
0x76: {  	_ =	shalt  }
0x77: {  	_ =	shalt  }
0x78: {  	_ =	shalt  }
0x79: {  	_ =	shalt  }
0x7a: {  	_ =	shalt  }
0x7b: {  	_ =	shalt  }
0x7c: {  	_ =	shalt  }
0x7d: {  	_ =	shalt  }
0x7e: {  	_ =	shalt  }
0x7f: {  	_ =	shalt  }
0x80: {  	_ =	shalt  }
0x81: {  	_ =	shalt  }
0x82: {  	_ =	shalt  }
0x83: {  	_ =	shalt  }
0x84: {  	_ =	shalt  }
0x85: {  	_ =	shalt  }
0x86: {  	_ =	shalt  }
0x87: {  	_ =	shalt  }
.Lfunc_end0:
.L_simem_size_0:
called_computation_lowered:
.L_overlay_start_0:
0x88: {  	s2 =	sld [smem:$0x3FD9]  }
0x89: {  	s3 =	sld [smem:$0x3FFE];
	_ =	sdelay $0x1  }
0x8a: {  	s1 =	srdreg.scid  }
0x8b: {  	s0 =	sand.u32 $0x1, s1  }
0x8c: {  	s17 =	sshll.u32 s0, $0xA;
	s2 =	sadd.s32 s3, s2  }
0x8d: {  	s2 =	sadd.s32 s2, s17  }
0x8e: {  	[smem:$0x3FC3] =	sst s2  }
0x8f: {  	_ = 	snop  }
0x90: {  	s2 =	sld [smem:$0x3FD0];
	(tm) =	ssettm $0x1  }
0x91: {  	s18 =	sld [smem:$0x3FFB];
	_ =	sdelay $0x3  }
0x92: {  	_ =	strace s18  }
0x93: {  	s3 =	sld [smem:$0x3FFC];
	_ =	sdelay $0x3  }
0x94: {  	_ =	strace s3  }
0x95: {  	s3 =	sld [smem:$0x3FFD];
	_ =	sdelay $0x3  }
0x96: {  	_ =	strace s3  }
0x97: {  	_ =	strace $0x8FFFFFFF  }
0x98: {  	s19 =	sld [smem:$0x3FDB];
	_ =	sdelay $0x1  }
0x99: {  	s4 =	simm.s32 $_scs_section_size  }
0x9a: {  	s5 =	simm.s32 $_size__tile_overlayer_lowered;
	s6 =	simm.s32 $_tile_overlayer_lowered  }
0x9b: {  	s22 =	simm.s32 $0x1BFF;
	s21 =	sshll.u32 s6, $0x1;
	s3 =	sadd.s32 s4, s19  }
0x9c: {  	s7 =	simm.s32 $0x0;
	s20 =	sshll.u32 s5, $0x1;
	s5 =	sadd.s32 s21, s3  }
0x9d: {  	[timem:s7], [sflag:s22] =	dma.local [hbm:s5], s20  }
0x9e: {  	_ =	swait.ge [sflag:s22], s20  }
0x9f: {  	s4 =	ssub.s32 $0x0, s20;
	[sflag:s22] =	ssyncset.done $0x0  }
0xa0: {  	[sflag:s22] =	ssyncadd.s32 s4;
	_ =	sdelay $0x1  }
0xa1: {  	s23 =	simm.s32 $0x1B8B  }
0xa2: {  	_ =	swait.ge [sflag:s23], $0x1  }
0xa3: {  	[sflag:s23] =	ssyncset.done $0x0  }
0xa4: {  	s25 =	simm.s32 $0x1B8E;
	s24 =	sld [smem:$0x3FFE];
	[sflag:s23] =	ssyncadd.s32 $0xFFFFFFFF  }
0xa5: {  	s26 =	simm.s32 $execute0_lowered;
	[smem:$0x3FD2] =	sst s25  }
0xa6: {  	s5 =	sshll.u32 s26, $0x1;
	_ =	strace $0x80000046;
	[dreg:$0x1] =	wrdreg $0xFFFFFFFF  }
0xa7: {  	s28 =	simm.s32 $_size_execute0_lowered;
	s3 =	sadd.s32 s3, s5;
	[dreg:$0x0] =	wrdreg $0x0  }
0xa8: {  	s5 =	sshll.u32 s28, $0x1;
	[dreg:$0x2] =	wrdreg s3  }
0xa9: {  	[dreg:$0x3] =	wrdreg s5  }
0xaa: {  	[dreg:$0x4] =	wrdreg $0xC0  }
0xab: {  	_ =	task [dreg:s7], $0x5FFFF  }
0xac: {  	[dreg:$0x1] =	wrdreg $0xFFFFFFFF  }
0xad: {  	[dreg:$0x0] =	wrdreg $0x60  }
0xae: {  	[dreg:$0x2] =	wrdreg s2  }
0xaf: {  	[dreg:$0x3] =	wrdreg s24  }
0xb0: {  	[dreg:$0x4] =	wrdreg $0x98000  }
0xb1: {  	[dreg:$0x5] =	wrdreg $0x9  }
0xb2: {  	_ =	task.clear_ibuf [dreg:s7], $0x6FFFF;
	_ =	strace $0x90000046  }
0xb3: {  	s29 =	simm.s32 $0x9;
	_ =	strace $0x80000048  }
0xb4: {  	_ =	swait.ge [sflag:s29], $0x1  }
0xb5: {  	[sflag:s29] =	ssyncadd.s32 $0xFFFFFFFF  }
0xb6: {  	_ =	strace $0x90000048  }
0xb7: {  	_ =	sfence  }
0xb8: {  	s30 =	sld [smem:$0x0];
	_ =	sdelay $0x2  }
0xb9: {  	s31 =	sshll.u32 s1, $0xD;
	s1 =	sshrl.u32 s1, $0x2  }
0xba: {  	s3 =	sand.u32 $0x4000, s31;
	s1 =	sadd.s32 s1, s30  }
0xbb: {  	s0 =	sor.u32 s3, s0;
	s1 =	sshll.u32 s1, $0x11  }
0xbc: {  	s0 =	sor.u32 s1, s0  }
0xbd: {  	s0 =	sadd.s32 $0x8F2B, s0  }
0xbe: {  	[sflag:s0] =	ssyncadd.remote.s32 $0x1  }
0xbf: {  	_ =	sfence.sel $0xFFFF  }
0xc0: {  	[dreg:$0x0] =	wrdreg $0xFFFFFFFF;
	(pc) =	sbr.abs _section_cstart, $3  }
0xc1: {  	[dreg:$0x1] =	wrdreg $0xFFFFFFFF  }
0xc2: {  	_ =	task.clear_ibuf [dreg:s7], $0x2FFFF;
	_ =	strace $0x9FFFFFFF  }
0xc3: {  	(tm) =	ssettm $0x7FFFFFFF  }
tec
execute0_lowered:
.L_overlay_start_1:
0x0: {  	(tag) =	ssettag $0x1  }
0x1: {  	s1 =	rddreg [dreg:$0x0]  }
0x2: {  	s0 =	srdreg.scid;
	s2 =	rddreg [dreg:$0x1]  }
0x3: {  	s8 =	stileid.u32;
	s3 =	rddreg [dreg:$0x2]  }
0x4: {  	s4 =	simm.s32 $0x0;
	s28 =	simm.s32 $0x5C00;
	s29 =	simm.s32 $0x1  }
0x5: {  	s30 =	simm.s32 $0x3;
	s31 =	simm.s32 $0x5;
	s6 =	smul.u32 $0x14000, s8  }
0x6: {  	s0 =	sand.u32 $0x1, s0;
	[smem:$0x7FF] =	sst s4;
	s7 =	smul.u32 $0x50000, s8  }
0x7: {  	s5 =	smul.u32 $0x140000, s0;
	_ =	strace $0x80000047;
	s16 =	sshll.u32 s0, $0x4  }
0x8: {  	s0 =	ssub.s32 $0x2, s0;
	s8 =	sor.u32 s8, s16;
	s17 =	sshrl.u32 s7, $0x2  }
0x9: {  	s9 =	sshrl.u32 s0, $0x1;
	s5 =	sadd.s32 s6, s5;
	s7 =	smul.u32 $0x2710, s8  }
0xa: {  	s0 =	ssub.s32 s0, s9;
	s6 =	sshrl.u32 s5, $0x3;
	s5 =	sadd.s32 $0x1000, s2  }
0xb: {  	s0 =	smax.u32 s0, $0x1;
	s2 =	sadd.s32 s6, s2;
	s6 =	sadd.s32 s17, s3  }
0xc: {  	s8 =	simm.s32 $0x6;
	[dreg:$0xd] =	wrdreg s0;
	s18 =	sadd.s32 $0x2800, s6  }
0xd: {  	s9 =	simm.s32 $0x0;
	s19 =	sadd.s32 $0x5000, s6;
	[dreg:$0x4] =	wrdreg s18  }
0xe: {  	s22 =	sshrl.u32 s7, $0x3;
	s20 =	sadd.s32 $0x7800, s6;
	[dreg:$0x5] =	wrdreg s19  }
0xf: {  	s0 =	simm.s32 $0x4;
	s21 =	sadd.s32 $0xA000, s6;
	[dreg:$0x6] =	wrdreg s20  }
0x10: {  	s23 =	sadd.s32 $0xC800, s6;
	s24 =	sadd.s32 $0xF000, s6;
	[dreg:$0x7] =	wrdreg s21  }
0x11: {  	s14 =	sadd.s32 s5, s22;
	s25 =	sadd.s32 $0x11800, s6;
	[dreg:$0x8] =	wrdreg s23  }
.Ltmp0:
0x12: {  	s2 =	sadd.s32 $0x14A00, s2;
	[dreg:$0x9] =	wrdreg s24;
	(pc) =	sbr.rel .LBB2_1-.Ltmp0, $4  }
0x13: {  	s22 =	simm.s32 $0x28;
	[dreg:$0xa] =	wrdreg s25;
	s26 =	sadd.s32 $0x9C40, s14  }
0x14: {  	[dreg:$0xc] =	wrdreg s2;
	s19 =	simm.s32 $0x2000;
	s20 =	simm.s32 $0x8  }
0x15: {  	s23 =	simm.s32 $0x3400;
	s25 =	simm.s32 $0x4800;
	s2 =	simm.s32 $0x7000  }
0x16: {  	v0 =	vimm.f32 $0.0e+00;
	s24 =	simm.s32 $0x8400;
	[dreg:$0xb] =	wrdreg s26;
	s26 =	simm.s32 $0x2  }
.LBB2_11:
0x17: {  	_ =	swait.ge [sflag:s30], $0x2800  }
0x18: {  	[sflag:s30] =	ssyncset.done $0x0  }
0x19: {  	[sflag:s30] =	ssyncadd.s32 $0xFFFFD800  }
0x1a: {  	_ =	swait.ge [sflag:s0], $0x2800  }
0x1b: {  	[sflag:s0] =	ssyncset.done $0x0  }
0x1c: {  	[sflag:s0] =	ssyncadd.s32 $0xFFFFD800  }
0x1d: {  	_ =	swait.ge [sflag:s31], $0x2800  }
0x1e: {  	[sflag:s31] =	ssyncset.done $0x0  }
0x1f: {  	s10 =	stileid.u32;
	[sflag:s31] =	ssyncadd.s32 $0xFFFFD800  }
0x20: {  	s10 =	sshll.u32 s10, $0x6;
	[bflag:$0x0] =	sbarrier.arrive $0xFFFF  }
0x21: {  	s11 =	sshrl.u32 s6, $0x3;
	s10 =	sor.u32 $0x1C08, s10;
	s12 =	rddreg [dreg:$0xc]  }
0x22: {  	[hbm:s12], [sflag:s10] =	dma.local [spmem:s11], $0x2800  }
0x23: {  	_ =	swait.ge [sflag:s20], $0x2800  }
0x24: {  	s9 =	sadd.s32 $0x1, s9;
	s21 =	rddreg [dreg:$0xd]  }
0x25: {  	p0 =	sne.s32 s9, s21  }
.Ltmp1:
0x26: {  	_ = 	snop;
	(pc) =	sbr.rel @!p0 .LBB2_12-.Ltmp1, $3  }
0x27: {  	_ =	sdelay $0x1  }
0x28: {  	[sflag:s20] =	ssyncset.done $0x0  }
0x29: {  	[sflag:s20] =	ssyncadd.s32 $0xFFFFD800  }
.LBB2_1:
0x2a: {  	s10 =	simm.s32 $0x0;
	s11 =	simm.s32 $0x200  }
.LBB2_2:
0x2b: {  	p0 =	sne.s32 s11, $0x9E00;
	[tilespmem:s10+$0x2070] =	vst v0  }
0x2c: {  	[tilespmem:s10+$0x2000] =	vst v0  }
0x2d: {  	[tilespmem:s10+$0x2010] =	vst v0  }
.Ltmp2:
0x2e: {  	[tilespmem:s10+$0x2020] =	vst v0;
	(pc) =	sbr.rel @p0 .LBB2_2-.Ltmp2, $4  }
0x2f: {  	[tilespmem:s10+$0x2030] =	vst v0  }
0x30: {  	[tilespmem:s10+$0x2040] =	vst v0  }
0x31: {  	[tilespmem:s10+$0x2050] =	vst v0  }
0x32: {  	[tilespmem:s10+$0x2060] =	vst v0;
	s10 =	sshra.s32 s11, $0x2;
	s11 =	sadd.s32 $0x200, s11  }
0x33: {  	[tilespmem:s10+$0x2070] =	vst v0  }
0x34: {  	[tilespmem:s10+$0x2000] =	vst v0  }
0x35: {  	[tilespmem:s10+$0x2010] =	vst v0  }
0x36: {  	[tilespmem:s10+$0x2020] =	vst v0  }
0x37: {  	[tilespmem:s10+$0x2030] =	vst v0  }
0x38: {  	[tilespmem:s10+$0x2040] =	vst v0  }
0x39: {  	[tilespmem:s10+$0x2050] =	vst v0  }
0x3a: {  	[tilespmem:s10+$0x2060] =	vst v0  }
0x3b: {  	[spmem:s6] =	stream.linear.scatter [tilespmem:s19], [sflag:$0x8], $0x2800, $0x38;
	[tilespmem:$0x1D800] =	vst v63  }
0x3c: {  	_ =	swait.ge [sflag:s20], $0x2800  }
0x3d: {  	[sflag:s20] =	ssyncset.done $0x0  }
0x3e: {  	s11 =	rddreg [dreg:$0x4];
	[sflag:s20] =	ssyncadd.s32 $0xFFFFD800  }
0x3f: {  	[spmem:s11] =	stream.linear.scatter [tilespmem:s19], [sflag:$0x8], $0x2800, $0x38;
	[tilespmem:$0x1D800] =	vst v63  }
0x40: {  	_ =	swait.ge [sflag:s20], $0x2800  }
0x41: {  	[sflag:s20] =	ssyncset.done $0x0  }
0x42: {  	s12 =	rddreg [dreg:$0x5];
	[sflag:s20] =	ssyncadd.s32 $0xFFFFD800  }
0x43: {  	[spmem:s12] =	stream.linear.scatter [tilespmem:s19], [sflag:$0x8], $0x2800, $0x38;
	[tilespmem:$0x1D800] =	vst v63  }
0x44: {  	_ =	swait.ge [sflag:s20], $0x2800  }
0x45: {  	[sflag:s20] =	ssyncset.done $0x0  }
0x46: {  	s13 =	rddreg [dreg:$0x6];
	[sflag:s20] =	ssyncadd.s32 $0xFFFFD800  }
0x47: {  	[spmem:s13] =	stream.linear.scatter [tilespmem:s19], [sflag:$0x8], $0x2800, $0x38;
	[tilespmem:$0x1D800] =	vst v63  }
0x48: {  	_ =	swait.ge [sflag:s20], $0x2800  }
0x49: {  	[sflag:s20] =	ssyncset.done $0x0  }
0x4a: {  	s15 =	rddreg [dreg:$0x7];
	[sflag:s20] =	ssyncadd.s32 $0xFFFFD800  }
0x4b: {  	[spmem:s15] =	stream.linear.scatter [tilespmem:s19], [sflag:$0x8], $0x2800, $0x38;
	[tilespmem:$0x1D800] =	vst v63  }
0x4c: {  	_ =	swait.ge [sflag:s20], $0x2800  }
0x4d: {  	[sflag:s20] =	ssyncset.done $0x0  }
0x4e: {  	s16 =	rddreg [dreg:$0x8];
	[sflag:s20] =	ssyncadd.s32 $0xFFFFD800  }
0x4f: {  	[spmem:s16] =	stream.linear.scatter [tilespmem:s19], [sflag:$0x8], $0x2800, $0x38;
	[tilespmem:$0x1D800] =	vst v63  }
0x50: {  	_ =	swait.ge [sflag:s20], $0x2800  }
0x51: {  	[sflag:s20] =	ssyncset.done $0x0  }
0x52: {  	s17 =	rddreg [dreg:$0x9];
	[sflag:s20] =	ssyncadd.s32 $0xFFFFD800  }
0x53: {  	[spmem:s17] =	stream.linear.scatter [tilespmem:s19], [sflag:$0x8], $0x2800, $0x38;
	[tilespmem:$0x1D800] =	vst v63  }
0x54: {  	_ =	swait.ge [sflag:s20], $0x2800  }
0x55: {  	[sflag:s20] =	ssyncset.done $0x0  }
0x56: {  	s18 =	rddreg [dreg:$0xa];
	[sflag:s20] =	ssyncadd.s32 $0xFFFFD800  }
0x57: {  	[spmem:s18] =	stream.linear.scatter [tilespmem:s19], [sflag:$0x8], $0x2800, $0x38;
	[tilespmem:$0x1D800] =	vst v63  }
0x58: {  	_ =	swait.ge [sflag:s20], $0x2800  }
0x59: {  	[sflag:s20] =	ssyncset.done $0x0  }
0x5a: {  	[sflag:s20] =	ssyncadd.s32 $0xFFFFD800  }
0x5b: {  	[bflag:$0x0] =	sbarrier.arrive $0xFFFF  }
0x5c: {  	[tilespmem:s4], [sflag:$0x8] =	stream.linear.gather [hbm4b:s14+s4], $0x7D0, $0x38;
	[tilespmem:$0x1D800] =	vst v63  }
0x5d: {  	_ =	swait.ge [sflag:s20], $0x7D0  }
0x5e: {  	[sflag:s20] =	ssyncset.done $0x0  }
0x5f: {  	s11 =	simm.s32 $0x1000;
	s21 =	rddreg [dreg:$0xb];
	[sflag:s20] =	ssyncadd.s32 $0xFFFFF830  }
0x60: {  	[tilespmem:s11], [sflag:$0x8] =	stream.linear.gather [hbm4b:s21+s4], $0x7D0, $0x38;
	[tilespmem:$0x1D800] =	vst v63  }
0x61: {  	_ =	swait.ge [sflag:s20], $0x7D0  }
0x62: {  	[sflag:s20] =	ssyncset.done $0x0  }
0x63: {  	[sflag:s20] =	ssyncadd.s32 $0xFFFFF830  }
0x64: {  	[tilespmem:s19], [sflag:$0x1] =	stream.indirect.gather [hbm4b:s1+s22], $0x80, s4, s22, $0xb8;
	[tilespmem:$0x1D800] =	vst v63  }
0x65: {  	_ = 	snop  }
0x66: {  	[tilespmem:s23], [sflag:$0x1] =	stream.indirect.gather [hbm4b:s1+s22], $0x80, s22, s22, $0xb8;
	[tilespmem:$0x1D800] =	vst v63  }
0x67: {  	s12 =	simm.s32 $0x50  }
0x68: {  	[tilespmem:s25], [sflag:$0x2] =	stream.indirect.gather [hbm4b:s1+s22], $0x80, s12, s22, $0xb8;
	[tilespmem:$0x1D800] =	vst v63  }
0x69: {  	s13 =	simm.s32 $0x78  }
0x6a: {  	[tilespmem:s28], [sflag:$0x2] =	stream.indirect.gather [hbm4b:s1+s22], $0x80, s13, s22, $0xb8;
	[tilespmem:$0x1D800] =	vst v63  }
0x6b: {  	_ =	swait.ge [sflag:s29], $0x2800  }
0x6c: {  	[sflag:s29] =	ssyncset.done $0x0  }
0x6d: {  	[sflag:s29] =	ssyncadd.s32 $0xFFFFD800  }
0x6e: {  	[spmem:s3] =	stream.indirect.scatter.add.f32 [tilespmem:s19], [sflag:$0x4], $0x80, s11, s22, $0xb8;
	[tilespmem:$0x1D800] =	vst v63  }
0x6f: {  	s15 =	simm.s32 $0x1028  }
0x70: {  	[spmem:s3] =	stream.indirect.scatter.add.f32 [tilespmem:s23], [sflag:$0x4], $0x80, s15, s22, $0xb8;
	[tilespmem:$0x1D800] =	vst v63  }
0x71: {  	s16 =	simm.s32 $0xA0  }
0x72: {  	[tilespmem:s2], [sflag:$0x3] =	stream.indirect.gather [hbm4b:s1+s22], $0x80, s16, s22, $0xb8;
	[tilespmem:$0x1D800] =	vst v63  }
0x73: {  	s17 =	simm.s32 $0xC8  }
0x74: {  	[tilespmem:s24], [sflag:$0x3] =	stream.indirect.gather [hbm4b:s1+s22], $0x80, s17, s22, $0xb8;
	[tilespmem:$0x1D800] =	vst v63  }
0x75: {  	_ =	swait.ge [sflag:s26], $0x2800  }
.Ltmp3:
0x76: {  	[sflag:s26] =	ssyncset.done $0x0;
	(pc) =	sbr.rel .LBB2_4-.Ltmp3, $4  }
0x77: {  	s18 =	simm.s32 $0x1050;
	[sflag:s26] =	ssyncadd.s32 $0xFFFFD800  }
0x78: {  	[spmem:s3] =	stream.indirect.scatter.add.f32 [tilespmem:s25], [sflag:$0x5], $0x80, s18, s22, $0xb8;
	[tilespmem:$0x1D800] =	vst v63  }
0x79: {  	s10 =	simm.s32 $0x3;
	s21 =	simm.s32 $0x1078  }
0x7a: {  	[spmem:s3] =	stream.indirect.scatter.add.f32 [tilespmem:s28], [sflag:$0x5], $0x80, s21, s22, $0xb8;
	[tilespmem:$0x1D800] =	vst v63  }
.LBB2_9:
0x7b: {  	s11 =	sadd.s32 $0x1, s11  }
0x7c: {  	s12 =	smin.u32 s11, $0x4  }
0x7d: {  	s12 =	smul.u32 $0x7D0, s12;
	_ =	sdelay $0x1  }
0x7e: {  	s11 =	sand.u32 $0x1, s11;
	s12 =	sadd.s32 s7, s12  }
0x7f: {  	p0 =	seq.s32 s11, $0x1;
	s11 =	simm.s32 $0x7D0;
	s12 =	sshrl.u32 s12, $0x3  }
0x80: {  	s11 =	simm.s32 @!p0 $0x0;
	s12 =	sadd.s32 s5, s12  }
0x81: {  	[tilespmem:s11], [sflag:$0x7] =	stream.linear.gather [hbm4b:s12+s4], $0x7D0, $0x38;
	[tilespmem:$0x1D800] =	vst v63  }
0x82: {  	s11 =	sor.u32 $0x1000, s11;
	s12 =	sadd.s32 $0x9C40, s12  }
0x83: {  	[tilespmem:s11], [sflag:$0x7] =	stream.linear.gather [hbm4b:s12+s4], $0x7D0, $0x38;
	[tilespmem:$0x1D800] =	vst v63  }
.LBB2_10:
0x84: {  	s10 =	sadd.s32 $0x1, s10  }
0x85: {  	p0 =	sne.s32 s10, $0x7E  }
.Ltmp4:
0x86: {  	_ = 	snop;
	(pc) =	sbr.rel @!p0 .LBB2_11-.Ltmp4, $1  }
0x87: {  	_ =	sdelay $0x3  }
.LBB2_4:
0x88: {  	s12 =	sadd.s32 $0xFFFFFFFF, s10  }
0x89: {  	s11 =	smul.u32 $0xAB, s12;
	_ =	sdelay $0x1  }
0x8a: {  	s11 =	sshrl.u32 s11, $0x9  }
0x8b: {  	s21 =	sand.u32 $0x7F, s11  }
0x8c: {  	s15 =	smin.u32 s10, $0x7C;
	s21 =	smul.u32 $0x3, s21  }
0x8d: {  	s16 =	smul.u32 $0x29, s15  }
0x8e: {  	s13 =	smul.u32 $0x29, s12;
	s21 =	ssub.s32 s12, s21  }
0x8f: {  	s16 =	sshrl.u32 s16, $0xA;
	s21 =	sand.u32 $0xFF, s21  }
0x90: {  	s13 =	sshrl.u32 s13, $0xA;
	s18 =	smul.u32 $0x19, s16;
	p0 =	seq.s32 s21, $0x2  }
.Ltmp5:
0x91: {  	s11 =	sand.u32 $0x3F, s13;
	(pc) =	sbr.rel @p0 .LBB2_8-.Ltmp5, $3  }
0x92: {  	s17 =	smul.u32 $0x19, s11;
	_ =	sdelay $0x1  }
0x93: {  	s13 =	sand.u32 $0x1, s13;
	s15 =	ssub.s32 s15, s18;
	s12 =	ssub.s32 s12, s17  }
0x94: {  	s16 =	sand.u32 $0x1, s16;
	s15 =	sand.u32 $0xFF, s15;
	s12 =	sand.u32 $0xFF, s12  }
0x95: {  	p0 =	seq.s32 s21, $0x1  }
.Ltmp6:
0x96: {  	_ = 	snop;
	(pc) =	sbr.rel @!p0 .LBB2_6-.Ltmp6, $1  }
0x97: {  	_ =	sdelay $0x3  }
0x98: {  	p0 =	sne.s32 s12, $0x18  }
0x99: {  	s17 =	simm.s32 @!p0 $0x7  }
0x9a: {  	_ =	swait.ge @!p0 [sflag:s17], $0x7D0  }
0x9b: {  	[sflag:s17] =	ssyncset.done @!p0 $0x0  }
0x9c: {  	[sflag:s17] =	ssyncadd.s32 @!p0 $0xFFFFF830  }
0x9d: {  	_ =	swait.ge @!p0 [sflag:s17], $0x7D0  }
0x9e: {  	s16 =	smul.u32 $0x1F40, s16;
	[sflag:s17] =	ssyncset.done @!p0 $0x0  }
0x9f: {  	s15 =	smul.u32 $0x140, s15;
	[sflag:s17] =	ssyncadd.s32 @!p0 $0xFFFFF830  }
0xa0: {  	_ =	swait.ge [sflag:s8], $0x2800  }
0xa1: {  	s16 =	sshrl.u32 s16, $0x2;
	s15 =	sshrl.u32 s15, $0x2;
	[sflag:s8] =	ssyncset.done $0x0  }
0xa2: {  	s13 =	smul.u32 $0x1F40, s13;
	s15 =	sadd.s32 s15, s16;
	[sflag:s8] =	ssyncadd.s32 $0xFFFFD800  }
0xa3: {  	[tilespmem:s2], [sflag:$0x3] =	stream.indirect.gather [hbm4b:s1+s22], $0x80, s15, s22, $0xb8;
	[tilespmem:$0x1D800] =	vst v63  }
0xa4: {  	s18 =	smul.u32 $0x140, s12;
	s13 =	sshrl.u32 s13, $0x2;
	s15 =	sadd.s32 $0x28, s15  }
0xa5: {  	[tilespmem:s24], [sflag:$0x3] =	stream.indirect.gather [hbm4b:s1+s22], $0x80, s15, s22, $0xb8;
	[tilespmem:$0x1D800] =	vst v63  }
0xa6: {  	s21 =	sshrl.u32 s18, $0x2;
	p0 =	seq.s32 s12, $0x2;
	_ =	swait.ge [sflag:s26], $0x2800  }
.Ltmp7:
0xa7: {  	s13 =	sadd.s32 s21, s13;
	[sflag:s26] =	ssyncset.done $0x0;
	(pc) =	sbr.rel @p0 .LBB2_9-.Ltmp7, $4  }
.Ltmp8:
0xa8: {  	s15 =	sadd.s32 $0x1000, s13;
	[sflag:s26] =	ssyncadd.s32 $0xFFFFD800;
	(pc) =	sbr.rel @!p0 .LBB2_10-.Ltmp8, $4  }
0xa9: {  	[spmem:s3] =	stream.indirect.scatter.add.f32 [tilespmem:s25], [sflag:$0x5], $0x80, s15, s22, $0xb8;
	[tilespmem:$0x1D800] =	vst v63  }
0xaa: {  	s13 =	sadd.s32 $0x1028, s13  }
0xab: {  	[spmem:s3] =	stream.indirect.scatter.add.f32 [tilespmem:s28], [sflag:$0x5], $0x80, s13, s22, $0xb8;
	[tilespmem:$0x1D800] =	vst v63  }
0xac: {  	_ = 	snop  }
.LBB2_8:
0xad: {  	p0 =	sne.s32 s12, $0x18  }
0xae: {  	s17 =	simm.s32 @!p0 $0x7  }
0xaf: {  	_ =	swait.ge @!p0 [sflag:s17], $0x7D0  }
0xb0: {  	[sflag:s17] =	ssyncset.done @!p0 $0x0  }
0xb1: {  	[sflag:s17] =	ssyncadd.s32 @!p0 $0xFFFFF830  }
0xb2: {  	_ =	swait.ge @!p0 [sflag:s17], $0x7D0  }
0xb3: {  	s16 =	smul.u32 $0x1F40, s16;
	[sflag:s17] =	ssyncset.done @!p0 $0x0  }
0xb4: {  	s15 =	smul.u32 $0x140, s15;
	[sflag:s17] =	ssyncadd.s32 @!p0 $0xFFFFF830  }
0xb5: {  	_ =	swait.ge [sflag:s0], $0x2800  }
0xb6: {  	s16 =	sshrl.u32 s16, $0x2;
	s15 =	sshrl.u32 s15, $0x2;
	[sflag:s0] =	ssyncset.done $0x0  }
0xb7: {  	s13 =	smul.u32 $0x1F40, s13;
	s15 =	sadd.s32 s15, s16;
	[sflag:s0] =	ssyncadd.s32 $0xFFFFD800  }
0xb8: {  	[tilespmem:s19], [sflag:$0x1] =	stream.indirect.gather [hbm4b:s1+s22], $0x80, s15, s22, $0xb8;
	[tilespmem:$0x1D800] =	vst v63  }
0xb9: {  	s18 =	smul.u32 $0x140, s12;
	s13 =	sshrl.u32 s13, $0x2;
	s15 =	sadd.s32 $0x28, s15  }
0xba: {  	[tilespmem:s23], [sflag:$0x1] =	stream.indirect.gather [hbm4b:s1+s22], $0x80, s15, s22, $0xb8;
	[tilespmem:$0x1D800] =	vst v63  }
0xbb: {  	s21 =	sshrl.u32 s18, $0x2;
	p0 =	seq.s32 s12, $0x2;
	_ =	swait.ge [sflag:s30], $0x2800  }
.Ltmp9:
0xbc: {  	s13 =	sadd.s32 s21, s13;
	[sflag:s30] =	ssyncset.done $0x0;
	(pc) =	sbr.rel @!p0 .LBB2_10-.Ltmp9, $4  }
.Ltmp10:
0xbd: {  	s15 =	sadd.s32 $0x1000, s13;
	[sflag:s30] =	ssyncadd.s32 $0xFFFFD800;
	(pc) =	sbr.rel @p0 .LBB2_9-.Ltmp10, $4  }
0xbe: {  	[spmem:s3] =	stream.indirect.scatter.add.f32 [tilespmem:s2], [sflag:$0x6], $0x80, s15, s22, $0xb8;
	[tilespmem:$0x1D800] =	vst v63  }
0xbf: {  	s13 =	sadd.s32 $0x1028, s13  }
0xc0: {  	[spmem:s3] =	stream.indirect.scatter.add.f32 [tilespmem:s24], [sflag:$0x6], $0x80, s13, s22, $0xb8;
	[tilespmem:$0x1D800] =	vst v63  }
0xc1: {  	_ = 	snop  }
.LBB2_6:
0xc2: {  	p0 =	sne.s32 s12, $0x18  }
0xc3: {  	s17 =	simm.s32 @!p0 $0x7  }
0xc4: {  	_ =	swait.ge @!p0 [sflag:s17], $0x7D0  }
0xc5: {  	[sflag:s17] =	ssyncset.done @!p0 $0x0  }
0xc6: {  	[sflag:s17] =	ssyncadd.s32 @!p0 $0xFFFFF830  }
0xc7: {  	_ =	swait.ge @!p0 [sflag:s17], $0x7D0  }
0xc8: {  	s16 =	smul.u32 $0x1F40, s16;
	[sflag:s17] =	ssyncset.done @!p0 $0x0  }
0xc9: {  	s15 =	smul.u32 $0x140, s15;
	[sflag:s17] =	ssyncadd.s32 @!p0 $0xFFFFF830  }
0xca: {  	_ =	swait.ge [sflag:s31], $0x2800  }
0xcb: {  	s16 =	sshrl.u32 s16, $0x2;
	s15 =	sshrl.u32 s15, $0x2;
	[sflag:s31] =	ssyncset.done $0x0  }
0xcc: {  	s13 =	smul.u32 $0x1F40, s13;
	s15 =	sadd.s32 s15, s16;
	[sflag:s31] =	ssyncadd.s32 $0xFFFFD800  }
0xcd: {  	[tilespmem:s25], [sflag:$0x2] =	stream.indirect.gather [hbm4b:s1+s22], $0x80, s15, s22, $0xb8;
	[tilespmem:$0x1D800] =	vst v63  }
0xce: {  	s18 =	smul.u32 $0x140, s12;
	s13 =	sshrl.u32 s13, $0x2;
	s15 =	sadd.s32 $0x28, s15  }
0xcf: {  	[tilespmem:s28], [sflag:$0x2] =	stream.indirect.gather [hbm4b:s1+s22], $0x80, s15, s22, $0xb8;
	[tilespmem:$0x1D800] =	vst v63  }
0xd0: {  	s21 =	sshrl.u32 s18, $0x2;
	p0 =	seq.s32 s12, $0x2;
	_ =	swait.ge [sflag:s29], $0x2800  }
.Ltmp11:
0xd1: {  	s13 =	sadd.s32 s21, s13;
	[sflag:s29] =	ssyncset.done $0x0;
	(pc) =	sbr.rel @p0 .LBB2_9-.Ltmp11, $4  }
.Ltmp12:
0xd2: {  	s15 =	sadd.s32 $0x1000, s13;
	[sflag:s29] =	ssyncadd.s32 $0xFFFFD800;
	(pc) =	sbr.rel @!p0 .LBB2_10-.Ltmp12, $4  }
0xd3: {  	[spmem:s3] =	stream.indirect.scatter.add.f32 [tilespmem:s19], [sflag:$0x4], $0x80, s15, s22, $0xb8;
	[tilespmem:$0x1D800] =	vst v63  }
0xd4: {  	s13 =	sadd.s32 $0x1028, s13  }
0xd5: {  	[spmem:s3] =	stream.indirect.scatter.add.f32 [tilespmem:s23], [sflag:$0x4], $0x80, s13, s22, $0xb8;
	[tilespmem:$0x1D800] =	vst v63  }
0xd6: {  	_ = 	snop  }
.LBB2_12:
0xd7: {  	_ =	sfence.sel $0x180000  }
0xd8: {  	[bflag:$0x0] =	sbarrier.arrive $0xFFFF  }
0xd9: {  	_ =	strace $0x90000047  }
0xda: {  	s0 =	stileid.u32;
	[bflag:$0x2] =	sbarrier.arrive $0xFFFF  }
0xdb: {  	p0 =	sne.s32 s0, $0x0;
	s0 =	rddreg [dreg:$0x3]  }
0xdc: {  	s0 =	sadd.s32 @!p0 $0x100000, s0  }
0xdd: {  	[sflag:s0] =	ssyncadd.tile.s32 @!p0 $0x1;
	_ =	shalt  }
.Lfunc_end2:
_tile_overlayer_lowered:
.L_overlay_start_2:
0xde: {  	(tag) =	ssettag $0x2  }
0xdf: {  	s0 =	rddreg [dreg:$0x0];
	s2 =	stileid.u32  }
0xe0: {  	s1 =	rddreg [dreg:$0x1];
	p0 =	sne.s32 s2, $0x0  }
0xe1: {  	s3 =	rddreg [dreg:$0x2];
	[bflag:$0x3] =	sbarrier.arrive $0xFFFF;
	s2 =	simm.s32 @!p0 $0x1C08  }
0xe2: {  	[timem:s3], [sflag:s2] =	dma.local @!p0 [hbm:s0], s1  }
0xe3: {  	s0 =	simm.s32 @!p0 $0x8  }
0xe4: {  	_ =	swait.ge @!p0 [sflag:s0], s1  }
0xe5: {  	s1 =	ssub.s32 @!p0 $0x0, s1;
	[sflag:s0] =	ssyncset.done @!p0 $0x0  }
0xe6: {  	[sflag:s0] =	ssyncadd.s32 @!p0 s1  }
0xe7: {  	[bflag:$0x3] =	sbarrier.arrive $0xFFFF  }
0xe8: {  	_ =	shalt  }

</sc_bundles>
